<compile_context>
chip_gen: v7x
topology: tpu7x:2x2x1
jax: 0.10.2.dev20260603
libtpu: 0.0.44.dev20260713+nightly
codegen_flags: <defaults>
</compile_context>

<pallas_src>
import jax
import jax.numpy as jnp
from jax import lax
from jax.experimental import pallas as pl
from jax.experimental.pallas import tpu as pltpu
from jax.experimental.pallas import tpu_sc as plsc

N = 10000
E = 320000
D = 128

CH = 80
NSUB = 16
NCHUNKS = E // CH
CPT = NCHUNKS // NSUB
XTRA = NCHUNKS - CPT * NSUB
NR = 10240
HALF = NR // 2
TRASH = HALF
SSH_R = HALF + 8
RPT_S = HALF // NSUB
RPT_C = NR // NSUB

BLK = 1000


def _agg_body(x_hbm, src_hbm, dst_hbm, zs_hbm, ones_hbm,
              s_out, c_out,
              ssh, csh, idx_sA, idx_dA, rowsA, idx_sB, idx_dB, rowsB,
              ones_b, semA, semB):
    c = lax.axis_index("c")
    w = lax.axis_index("s")

    pltpu.sync_copy(ones_hbm, ones_b)

    ebase = c * E
    xoff = jnp.full((16,), c * N, jnp.int32)

    for p in (0, 1):
        pltpu.sync_copy(zs_hbm, ssh.at[pl.ds(w * RPT_S, RPT_S)])
        pltpu.sync_copy(zs_hbm, csh.at[pl.ds(w * RPT_S, RPT_S)])
        plsc.subcore_barrier()

        def fire(cn, idx_s, idx_d, rows, sem):
            off = ebase + cn * CH
            pltpu.sync_copy(src_hbm.at[pl.ds(off, CH)], idx_s)
            pltpu.sync_copy(dst_hbm.at[pl.ds(off, CH)], idx_d)
            for k in range(CH // 16):
                idx_s[pl.ds(16 * k, 16)] = idx_s[pl.ds(16 * k, 16)] + xoff
            pltpu.async_copy(x_hbm.at[idx_s], rows, sem)

        def drain(idx_s, idx_d, rows, sem, p=p):
            pltpu.make_async_copy(x_hbm.at[idx_s], rows, sem).wait()
            for k in range(CH // 16):
                v = idx_d[pl.ds(16 * k, 16)]
                if p == 0:
                    nv = jnp.where(v < HALF, v, TRASH)
                else:
                    t = v - HALF
                    nv = jnp.where(t >= 0, t, TRASH)
                idx_d[pl.ds(16 * k, 16)] = nv
            pltpu.sync_copy(rows, ssh.at[idx_d], add=True)
            pltpu.sync_copy(ones_b, csh.at[idx_d], add=True)

        base = w * CPT
        fire(base, idx_sA, idx_dA, rowsA, semA)

        def pair_body(t, _):
            cn = base + 2 * t
            fire(cn + 1, idx_sB, idx_dB, rowsB, semB)
            drain(idx_sA, idx_dA, rowsA, semA)

            @pl.when(cn + 2 < base + CPT)
            def _():
                fire(cn + 2, idx_sA, idx_dA, rowsA, semA)
            drain(idx_sB, idx_dB, rowsB, semB)
            return 0
        lax.fori_loop(0, CPT // 2, pair_body, 0)

        @pl.when(w < XTRA)
        def _():
            fire(NSUB * CPT + w, idx_sA, idx_dA, rowsA, semA)
            drain(idx_sA, idx_dA, rowsA, semA)

        plsc.subcore_barrier()
        pltpu.sync_copy(ssh.at[pl.ds(w * RPT_S, RPT_S)],
                        s_out.at[pl.ds(c * NR + p * HALF + w * RPT_S, RPT_S)])
        pltpu.sync_copy(csh.at[pl.ds(w * RPT_S, RPT_S)],
                        c_out.at[pl.ds(c * NR + p * HALF + w * RPT_S, RPT_S)])


def _aggregate(x0, x1, src0, dst0, src1, dst1):
    zs = jnp.zeros((RPT_S, D), jnp.float32)
    ones2d = jnp.ones((CH, D), jnp.float32)
    x_cat = jnp.concatenate([x0, x1], axis=0)
    src_cat = jnp.concatenate([src0, src1], axis=0)
    dst_cat = jnp.concatenate([dst0, dst1], axis=0)
    f = pl.kernel(
        _agg_body,
        mesh=plsc.VectorSubcoreMesh(core_axis_name="c", subcore_axis_name="s"),
        out_type=[
            jax.ShapeDtypeStruct((2 * NR, D), jnp.float32),
            jax.ShapeDtypeStruct((2 * NR, D), jnp.float32),
        ],
        scratch_types=[
            pltpu.VMEM_SHARED((SSH_R, D), jnp.float32),
            pltpu.VMEM_SHARED((SSH_R, D), jnp.float32),
            pltpu.VMEM((CH,), jnp.int32),
            pltpu.VMEM((CH,), jnp.int32),
            pltpu.VMEM((CH, D), jnp.float32),
            pltpu.VMEM((CH,), jnp.int32),
            pltpu.VMEM((CH,), jnp.int32),
            pltpu.VMEM((CH, D), jnp.float32),
            pltpu.VMEM((CH, D), jnp.float32),
            pltpu.SemaphoreType.DMA,
            pltpu.SemaphoreType.DMA,
        ],
    )
    s_all, c_all = f(x_cat, src_cat, dst_cat, zs, ones2d)
    return (s_all[:N], c_all[:N, 0:1], s_all[NR:NR + N], c_all[NR:NR + N, 0:1])


def _tail_body(x0_ref, x1_ref, s0_ref, c0_ref, s1_ref, c1_ref,
               wr0_ref, br0_ref, wr1_ref, br1_ref, wl0_ref, wl1_ref,
               out0_ref, out1_ref):
    m0 = s0_ref[...] / jnp.maximum(c0_ref[...], 1.0)
    m1 = s1_ref[...] / jnp.maximum(c1_ref[...], 1.0)
    acc0 = jnp.dot(x0_ref[...], wr0_ref[...].T, preferred_element_type=jnp.float32)
    acc0 = acc0 + jnp.dot(m1, wl1_ref[...].T, preferred_element_type=jnp.float32)
    out0_ref[...] = acc0 + br0_ref[...]
    acc1 = jnp.dot(x1_ref[...], wr1_ref[...].T, preferred_element_type=jnp.float32)
    acc1 = acc1 + jnp.dot(m0, wl0_ref[...].T, preferred_element_type=jnp.float32)
    out1_ref[...] = acc1 + br1_ref[...]


def _tail(x0, x1, s0, c0, s1, c1,
          W_root0, b_root0, W_root1, b_root1, W_rel0, W_rel1):
    grid = (N // BLK,)
    blk = pl.BlockSpec((BLK, D), lambda i: (i, 0))
    cblk = pl.BlockSpec((BLK, 1), lambda i: (i, 0))
    full = pl.BlockSpec((D, D), lambda i: (0, 0))
    bias = pl.BlockSpec((1, D), lambda i: (0, 0))
    return pl.pallas_call(
        _tail_body,
        grid=grid,
        in_specs=[blk, blk, blk, cblk, blk, cblk,
                  full, bias, full, bias, full, full],
        out_specs=[blk, blk],
        out_shape=[jax.ShapeDtypeStruct((N, D), jnp.float32),
                   jax.ShapeDtypeStruct((N, D), jnp.float32)],
    )(x0, x1, s0, c0, s1, c1, W_root0, b_root0.reshape(1, D),
      W_root1, b_root1.reshape(1, D), W_rel0, W_rel1)


def kernel(x0, x1, W_root0, b_root0, W_root1, b_root1, W_rel0, W_rel1,
           edge_index0, edge_index1):
    src0, dst0 = edge_index0[0], edge_index0[1]
    src1, dst1 = edge_index1[0], edge_index1[1]
    s0, c0, s1, c1 = _aggregate(x0, x1, src0, dst0, src1, dst1)
    out0, out1 = _tail(x0, x1, s0, c0, s1, c1, W_root0, b_root0,
                       W_root1, b_root1, W_rel0, W_rel1)
    return (out0, out1)

# --- scband reference (transcript-rebuilt; emitter-appended) ---
"""Pipeline reference for scband-rgcn-35811437314587 (READ-ONLY COPY).

The authoritative reference and input builder live on the scoring server;
editing this copy changes nothing except your own understanding.
"""

import jax, jax.numpy as jnp
import numpy as np

N = 10000
E = 320000
D = 128


def setup_inputs(seed: int = 0) -> dict:
    key = jax.random.key(seed)
    ks = jax.random.split(key, 12)
    scale = 1.0 / np.sqrt(D)
    inp = {
        "x0": jax.random.normal(ks[0], (N, D), dtype=jnp.float32),
        "x1": jax.random.normal(ks[1], (N, D), dtype=jnp.float32),
        "W_root0": jax.random.uniform(ks[2], (D, D), minval=-scale, maxval=scale, dtype=jnp.float32),
        "b_root0": jax.random.uniform(ks[3], (D,), minval=-scale, maxval=scale, dtype=jnp.float32),
        "W_root1": jax.random.uniform(ks[4], (D, D), minval=-scale, maxval=scale, dtype=jnp.float32),
        "b_root1": jax.random.uniform(ks[5], (D,), minval=-scale, maxval=scale, dtype=jnp.float32),
        "W_rel0": jax.random.uniform(ks[6], (D, D), minval=-scale, maxval=scale, dtype=jnp.float32),
        "W_rel1": jax.random.uniform(ks[7], (D, D), minval=-scale, maxval=scale, dtype=jnp.float32),
        "edge_index0": jax.random.randint(ks[8], (2, E), 0, N, dtype=jnp.int32),
        "edge_index1": jax.random.randint(ks[9], (2, E), 0, N, dtype=jnp.int32),
    }
    return inp


def reference(x0, x1, W_root0, b_root0, W_root1, b_root1, W_rel0, W_rel1, edge_index0, edge_index1):
    # Root transform per node type (root_lins with bias)
    out0 = x0 @ W_root0.T + b_root0
    out1 = x1 @ W_root1.T + b_root1

    # Edge type 0: src node type 0 -> dst node type 1, mean aggregation then rel_lin
    src0, dst0 = edge_index0[0], edge_index0[1]
    s0 = jnp.zeros((N, D), dtype=x0.dtype).at[dst0].add(x0[src0])
    c0 = jnp.zeros((N,), dtype=x0.dtype).at[dst0].add(1.0)
    mean0 = s0 / jnp.maximum(c0, 1.0)[:, None]
    out1 = out1 + mean0 @ W_rel0.T

    # Edge type 1: src node type 1 -> dst node type 0, mean aggregation then rel_lin
    src1, dst1 = edge_index1[0], edge_index1[1]
    s1 = jnp.zeros((N, D), dtype=x1.dtype).at[dst1].add(x1[src1])
    c1 = jnp.zeros((N,), dtype=x1.dtype).at[dst1].add(1.0)
    mean1 = s1 / jnp.maximum(c1, 1.0)[:, None]
    out0 = out0 + mean1 @ W_rel1.T

    # num_layers == 1 so last layer: no ReLU applied
    return (out0, out1)

if __name__ == "__main__":
    import jax
    _d = setup_inputs()
    print(jax.jit(kernel)(*tuple(_d.values())))

</pallas_src>

<mosaic_0001>
#map = affine_map<(d0, d1) -> (0, 0)>
#map1 = affine_map<(d0, d1) -> (0)>
module attributes {stable_mosaic.version = 14 : i64} {
  func.func @_agg_body(%arg0: i32, %arg1: i32, %arg2: memref<20000x128xf32, #tpu.memory_space<hbm>>, %arg3: memref<640000xi32, #tpu.memory_space<hbm>>, %arg4: memref<640000xi32, #tpu.memory_space<hbm>>, %arg5: memref<320x128xf32, #tpu.memory_space<hbm>>, %arg6: memref<80x128xf32, #tpu.memory_space<hbm>>, %arg7: memref<20480x128xf32, #tpu.memory_space<hbm>>, %arg8: memref<20480x128xf32, #tpu.memory_space<hbm>>, %arg9: memref<5128x128xf32, #tpu.memory_space<vmem_shared>>, %arg10: memref<5128x128xf32, #tpu.memory_space<vmem_shared>>, %arg11: memref<80xi32, #tpu.memory_space<vmem>>, %arg12: memref<80xi32, #tpu.memory_space<vmem>>, %arg13: memref<80x128xf32, #tpu.memory_space<vmem>>, %arg14: memref<80xi32, #tpu.memory_space<vmem>>, %arg15: memref<80xi32, #tpu.memory_space<vmem>>, %arg16: memref<80x128xf32, #tpu.memory_space<vmem>>, %arg17: memref<80x128xf32, #tpu.memory_space<vmem>>, %arg18: memref<!tpu.dma_semaphore, #tpu.memory_space<semaphore_mem>>, %arg19: memref<!tpu.dma_semaphore, #tpu.memory_space<semaphore_mem>>) attributes {dimension_semantics = [#tpu.dimension_semantics<core_parallel>, #tpu.dimension_semantics<subcore_parallel>], iteration_bounds = array<i64: 2, 16>, scalar_prefetch = 0 : i64, scratch_operands = 11 : i64, tpu.core_type = #tpu.core_type<sc_vector_subcore>, window_params = [{transform_indices = #map}, {transform_indices = #map1}, {transform_indices = #map1}, {transform_indices = #map}, {transform_indices = #map}, {transform_indices = #map}, {transform_indices = #map}]} {
    "tpu.region"() ({
      %run_scoped3A = tpu.sem_alloc : memref<!tpu.dma_semaphore, #tpu.memory_space<semaphore_mem>>
      tpu.enqueue_dma source(%arg6 : memref<80x128xf32, #tpu.memory_space<hbm>>) target(%arg17 : memref<80x128xf32, #tpu.memory_space<vmem>>) target_semaphore(%run_scoped3A : memref<!tpu.dma_semaphore, #tpu.memory_space<semaphore_mem>>)
      tpu.wait_dma2 semaphore(%run_scoped3A : memref<!tpu.dma_semaphore, #tpu.memory_space<semaphore_mem>>) src(%arg6 : memref<80x128xf32, #tpu.memory_space<hbm>>) dst(%arg17 : memref<80x128xf32, #tpu.memory_space<vmem>>)
      tpu.yield
    }) : () -> ()
    %mul3A = arith.constant 320000 : i32
    %mul3A_0 = arith.muli %arg0, %mul3A : i32
    %mul3A_1 = arith.constant 10000 : i32
    %mul3A_2 = arith.muli %arg0, %mul3A_1 : i32
    %broadcast_in_dim3A = vector.broadcast %mul3A_2 : i32 to vector<16xi32>
    %mul3A_3 = arith.constant 320 : i32
    %mul3A_4 = arith.muli %arg1, %mul3A_3 : i32
    "tpu.region"() ({
      %run_scoped3A = tpu.sem_alloc : memref<!tpu.dma_semaphore, #tpu.memory_space<semaphore_mem>>
      %dma_start3A_162 = arith.constant 0 : i32
      %dma_start3A_163 = tpu.memref_slice %arg9[%mul3A_4, %dma_start3A_162] : memref<5128x128xf32, #tpu.memory_space<vmem_shared>> -> memref<320x128xf32, #tpu.memory_space<vmem_shared>>
      tpu.enqueue_dma source(%arg5 : memref<320x128xf32, #tpu.memory_space<hbm>>) target(%dma_start3A_163 : memref<320x128xf32, #tpu.memory_space<vmem_shared>>) target_semaphore(%run_scoped3A : memref<!tpu.dma_semaphore, #tpu.memory_space<semaphore_mem>>)
      %dma_wait3A = arith.constant 0 : i32
      %dma_wait3A_164 = tpu.memref_slice %arg9[%mul3A_4, %dma_wait3A] : memref<5128x128xf32, #tpu.memory_space<vmem_shared>> -> memref<320x128xf32, #tpu.memory_space<vmem_shared>>
      tpu.wait_dma2 semaphore(%run_scoped3A : memref<!tpu.dma_semaphore, #tpu.memory_space<semaphore_mem>>) src(%arg5 : memref<320x128xf32, #tpu.memory_space<hbm>>) dst(%dma_wait3A_164 : memref<320x128xf32, #tpu.memory_space<vmem_shared>>)
      tpu.yield
    }) : () -> ()
    %mul3A_5 = arith.constant 320 : i32
    %mul3A_6 = arith.muli %arg1, %mul3A_5 : i32
    "tpu.region"() ({
      %run_scoped3A = tpu.sem_alloc : memref<!tpu.dma_semaphore, #tpu.memory_space<semaphore_mem>>
      %dma_start3A_162 = arith.constant 0 : i32
      %dma_start3A_163 = tpu.memref_slice %arg10[%mul3A_6, %dma_start3A_162] : memref<5128x128xf32, #tpu.memory_space<vmem_shared>> -> memref<320x128xf32, #tpu.memory_space<vmem_shared>>
      tpu.enqueue_dma source(%arg5 : memref<320x128xf32, #tpu.memory_space<hbm>>) target(%dma_start3A_163 : memref<320x128xf32, #tpu.memory_space<vmem_shared>>) target_semaphore(%run_scoped3A : memref<!tpu.dma_semaphore, #tpu.memory_space<semaphore_mem>>)
      %dma_wait3A = arith.constant 0 : i32
      %dma_wait3A_164 = tpu.memref_slice %arg10[%mul3A_6, %dma_wait3A] : memref<5128x128xf32, #tpu.memory_space<vmem_shared>> -> memref<320x128xf32, #tpu.memory_space<vmem_shared>>
      tpu.wait_dma2 semaphore(%run_scoped3A : memref<!tpu.dma_semaphore, #tpu.memory_space<semaphore_mem>>) src(%arg5 : memref<320x128xf32, #tpu.memory_space<hbm>>) dst(%dma_wait3A_164 : memref<320x128xf32, #tpu.memory_space<vmem_shared>>)
      tpu.yield
    }) : () -> ()
    %barrier3A = arith.constant 0 : index
    tpu.barrier barrier_id(%barrier3A)
    %mul3A_7 = arith.constant 250 : i32
    %mul3A_8 = arith.muli %arg1, %mul3A_7 : i32
    %mul3A_9 = arith.constant 80 : i32
    %mul3A_10 = arith.muli %mul3A_8, %mul3A_9 : i32
    %add3A = arith.addi %mul3A_0, %mul3A_10 : i32
    "tpu.region"() ({
      %run_scoped3A = tpu.sem_alloc : memref<!tpu.dma_semaphore, #tpu.memory_space<semaphore_mem>>
      %dma_start3A_162 = tpu.memref_slice %arg3[%add3A] : memref<640000xi32, #tpu.memory_space<hbm>> -> memref<80xi32, #tpu.memory_space<hbm>>
      %dma_start3A_163 = tpu.memref_slice %arg3[%add3A] : memref<640000xi32, #tpu.memory_space<hbm>> -> memref<80xi32, #tpu.memory_space<hbm>>
      tpu.enqueue_dma source(%dma_start3A_163 : memref<80xi32, #tpu.memory_space<hbm>>) target(%arg11 : memref<80xi32, #tpu.memory_space<vmem>>) target_semaphore(%run_scoped3A : memref<!tpu.dma_semaphore, #tpu.memory_space<semaphore_mem>>)
      %dma_wait3A = tpu.memref_slice %arg3[%add3A] : memref<640000xi32, #tpu.memory_space<hbm>> -> memref<80xi32, #tpu.memory_space<hbm>>
      %dma_wait3A_164 = tpu.memref_slice %arg3[%add3A] : memref<640000xi32, #tpu.memory_space<hbm>> -> memref<80xi32, #tpu.memory_space<hbm>>
      tpu.wait_dma2 semaphore(%run_scoped3A : memref<!tpu.dma_semaphore, #tpu.memory_space<semaphore_mem>>) src(%dma_wait3A_164 : memref<80xi32, #tpu.memory_space<hbm>>) dst(%arg11 : memref<80xi32, #tpu.memory_space<vmem>>)
      tpu.yield
    }) : () -> ()
    "tpu.region"() ({
      %run_scoped3A = tpu.sem_alloc : memref<!tpu.dma_semaphore, #tpu.memory_space<semaphore_mem>>
      %dma_start3A_162 = tpu.memref_slice %arg4[%add3A] : memref<640000xi32, #tpu.memory_space<hbm>> -> memref<80xi32, #tpu.memory_space<hbm>>
      %dma_start3A_163 = tpu.memref_slice %arg4[%add3A] : memref<640000xi32, #tpu.memory_space<hbm>> -> memref<80xi32, #tpu.memory_space<hbm>>
      tpu.enqueue_dma source(%dma_start3A_163 : memref<80xi32, #tpu.memory_space<hbm>>) target(%arg12 : memref<80xi32, #tpu.memory_space<vmem>>) target_semaphore(%run_scoped3A : memref<!tpu.dma_semaphore, #tpu.memory_space<semaphore_mem>>)
      %dma_wait3A = tpu.memref_slice %arg4[%add3A] : memref<640000xi32, #tpu.memory_space<hbm>> -> memref<80xi32, #tpu.memory_space<hbm>>
      %dma_wait3A_164 = tpu.memref_slice %arg4[%add3A] : memref<640000xi32, #tpu.memory_space<hbm>> -> memref<80xi32, #tpu.memory_space<hbm>>
      tpu.wait_dma2 semaphore(%run_scoped3A : memref<!tpu.dma_semaphore, #tpu.memory_space<semaphore_mem>>) src(%dma_wait3A_164 : memref<80xi32, #tpu.memory_space<hbm>>) dst(%arg12 : memref<80xi32, #tpu.memory_space<vmem>>)
      tpu.yield
    }) : () -> ()
    %get3A = arith.constant 0 : index
    %get3A_11 = tpu.vector_load %arg11[%get3A] {strides = array<i32>} : memref<80xi32, #tpu.memory_space<vmem>>, vector<16xi32>,
    %get3A_12 = vector.shape_cast %get3A_11 : vector<16xi32> to vector<16xi32>
    %add3A_13 = arith.addi %get3A_12, %broadcast_in_dim3A : vector<16xi32>
    %swap3A = arith.constant 0 : index
    %swap3A_14 = tpu.vector_load %arg11[%swap3A] {strides = array<i32>} : memref<80xi32, #tpu.memory_space<vmem>>, vector<16xi32>,
    %swap3A_15 = vector.shape_cast %swap3A_14 : vector<16xi32> to vector<16xi32>
    %swap3A_16 = vector.shape_cast %add3A_13 : vector<16xi32> to vector<16xi32>
    tpu.vector_store %arg11[%swap3A], %swap3A_16 {strides = array<i32>} : memref<80xi32, #tpu.memory_space<vmem>>, vector<16xi32>,
    %get3A_17 = arith.constant 16 : index
    %get3A_18 = tpu.vector_load %arg11[%get3A_17] {strides = array<i32>} : memref<80xi32, #tpu.memory_space<vmem>>, vector<16xi32>,
    %get3A_19 = vector.shape_cast %get3A_18 : vector<16xi32> to vector<16xi32>
    %add3A_20 = arith.addi %get3A_19, %broadcast_in_dim3A : vector<16xi32>
    %swap3A_21 = arith.constant 16 : index
    %swap3A_22 = tpu.vector_load %arg11[%swap3A_21] {strides = array<i32>} : memref<80xi32, #tpu.memory_space<vmem>>, vector<16xi32>,
    %swap3A_23 = vector.shape_cast %swap3A_22 : vector<16xi32> to vector<16xi32>
    %swap3A_24 = vector.shape_cast %add3A_20 : vector<16xi32> to vector<16xi32>
    tpu.vector_store %arg11[%swap3A_21], %swap3A_24 {strides = array<i32>} : memref<80xi32, #tpu.memory_space<vmem>>, vector<16xi32>,
    %get3A_25 = arith.constant 32 : index
    %get3A_26 = tpu.vector_load %arg11[%get3A_25] {strides = array<i32>} : memref<80xi32, #tpu.memory_space<vmem>>, vector<16xi32>,
    %get3A_27 = vector.shape_cast %get3A_26 : vector<16xi32> to vector<16xi32>
    %add3A_28 = arith.addi %get3A_27, %broadcast_in_dim3A : vector<16xi32>
    %swap3A_29 = arith.constant 32 : index
    %swap3A_30 = tpu.vector_load %arg11[%swap3A_29] {strides = array<i32>} : memref<80xi32, #tpu.memory_space<vmem>>, vector<16xi32>,
    %swap3A_31 = vector.shape_cast %swap3A_30 : vector<16xi32> to vector<16xi32>
    %swap3A_32 = vector.shape_cast %add3A_28 : vector<16xi32> to vector<16xi32>
    tpu.vector_store %arg11[%swap3A_29], %swap3A_32 {strides = array<i32>} : memref<80xi32, #tpu.memory_space<vmem>>, vector<16xi32>,
    %get3A_33 = arith.constant 48 : index
    %get3A_34 = tpu.vector_load %arg11[%get3A_33] {strides = array<i32>} : memref<80xi32, #tpu.memory_space<vmem>>, vector<16xi32>,
    %get3A_35 = vector.shape_cast %get3A_34 : vector<16xi32> to vector<16xi32>
    %add3A_36 = arith.addi %get3A_35, %broadcast_in_dim3A : vector<16xi32>
    %swap3A_37 = arith.constant 48 : index
    %swap3A_38 = tpu.vector_load %arg11[%swap3A_37] {strides = array<i32>} : memref<80xi32, #tpu.memory_space<vmem>>, vector<16xi32>,
    %swap3A_39 = vector.shape_cast %swap3A_38 : vector<16xi32> to vector<16xi32>
    %swap3A_40 = vector.shape_cast %add3A_36 : vector<16xi32> to vector<16xi32>
    tpu.vector_store %arg11[%swap3A_37], %swap3A_40 {strides = array<i32>} : memref<80xi32, #tpu.memory_space<vmem>>, vector<16xi32>,
    %get3A_41 = arith.constant 64 : index
    %get3A_42 = tpu.vector_load %arg11[%get3A_41] {strides = array<i32>} : memref<80xi32, #tpu.memory_space<vmem>>, vector<16xi32>,
    %get3A_43 = vector.shape_cast %get3A_42 : vector<16xi32> to vector<16xi32>
    %add3A_44 = arith.addi %get3A_43, %broadcast_in_dim3A : vector<16xi32>
    %swap3A_45 = arith.constant 64 : index
    %swap3A_46 = tpu.vector_load %arg11[%swap3A_45] {strides = array<i32>} : memref<80xi32, #tpu.memory_space<vmem>>, vector<16xi32>,
    %swap3A_47 = vector.shape_cast %swap3A_46 : vector<16xi32> to vector<16xi32>
    %swap3A_48 = vector.shape_cast %add3A_44 : vector<16xi32> to vector<16xi32>
    tpu.vector_store %arg11[%swap3A_45], %swap3A_48 {strides = array<i32>} : memref<80xi32, #tpu.memory_space<vmem>>, vector<16xi32>,
    %dma_start3A = arith.constant 0 : i32
    %dma_start3A_49 = arith.constant 0 : i32
    %dma_start3A_50 = tpu.memref_slice %arg2[%dma_start3A, %dma_start3A_49] : memref<20000x128xf32, #tpu.memory_space<hbm>> -> memref<20000x128xf32, #tpu.memory_space<hbm>>
    tpu.enqueue_indirect_dma source(%dma_start3A_50 : memref<20000x128xf32, #tpu.memory_space<hbm>>) target(%arg13 : memref<80x128xf32, #tpu.memory_space<vmem>>) offsets(%arg11 : memref<80xi32, #tpu.memory_space<vmem>>) semaphore(%arg18 : memref<!tpu.dma_semaphore, #tpu.memory_space<semaphore_mem>>)
    %scan3A = arith.constant 0 : i32
    %scan3A_51 = arith.constant 0 : i32
    %scan3A_52 = arith.constant 125 : i32
    %scan3A_53 = arith.addi %scan3A_51, %scan3A_52 : i32
    %scan3A_54 = arith.constant 1 : i32
    %scan3A_55 = scf.for %scan3A_162 = %scan3A_51 to %scan3A_53 step %scan3A_54 iter_args(%scan3A_163 = %scan3A) -> (i32)  : i32 {
      %mul3A_164 = arith.constant 2 : i32
      %mul3A_165 = arith.muli %mul3A_164, %scan3A_162 : i32
      %add3A_166 = arith.addi %mul3A_8, %mul3A_165 : i32
      %add3A_167 = arith.constant 1 : i32
      %add3A_168 = arith.addi %add3A_166, %add3A_167 : i32
      %mul3A_169 = arith.constant 80 : i32
      %mul3A_170 = arith.muli %add3A_168, %mul3A_169 : i32
      %add3A_171 = arith.addi %mul3A_0, %mul3A_170 : i32
      "tpu.region"() ({
        %run_scoped3A = tpu.sem_alloc : memref<!tpu.dma_semaphore, #tpu.memory_space<semaphore_mem>>
        %dma_start3A_357 = tpu.memref_slice %arg3[%add3A_171] : memref<640000xi32, #tpu.memory_space<hbm>> -> memref<80xi32, #tpu.memory_space<hbm>>
        %dma_start3A_358 = tpu.memref_slice %arg3[%add3A_171] : memref<640000xi32, #tpu.memory_space<hbm>> -> memref<80xi32, #tpu.memory_space<hbm>>
        tpu.enqueue_dma source(%dma_start3A_358 : memref<80xi32, #tpu.memory_space<hbm>>) target(%arg14 : memref<80xi32, #tpu.memory_space<vmem>>) target_semaphore(%run_scoped3A : memref<!tpu.dma_semaphore, #tpu.memory_space<semaphore_mem>>)
        %dma_wait3A_359 = tpu.memref_slice %arg3[%add3A_171] : memref<640000xi32, #tpu.memory_space<hbm>> -> memref<80xi32, #tpu.memory_space<hbm>>
        %dma_wait3A_360 = tpu.memref_slice %arg3[%add3A_171] : memref<640000xi32, #tpu.memory_space<hbm>> -> memref<80xi32, #tpu.memory_space<hbm>>
        tpu.wait_dma2 semaphore(%run_scoped3A : memref<!tpu.dma_semaphore, #tpu.memory_space<semaphore_mem>>) src(%dma_wait3A_360 : memref<80xi32, #tpu.memory_space<hbm>>) dst(%arg14 : memref<80xi32, #tpu.memory_space<vmem>>)
        tpu.yield
      }) : () -> ()
      "tpu.region"() ({
        %run_scoped3A = tpu.sem_alloc : memref<!tpu.dma_semaphore, #tpu.memory_space<semaphore_mem>>
        %dma_start3A_357 = tpu.memref_slice %arg4[%add3A_171] : memref<640000xi32, #tpu.memory_space<hbm>> -> memref<80xi32, #tpu.memory_space<hbm>>
        %dma_start3A_358 = tpu.memref_slice %arg4[%add3A_171] : memref<640000xi32, #tpu.memory_space<hbm>> -> memref<80xi32, #tpu.memory_space<hbm>>
        tpu.enqueue_dma source(%dma_start3A_358 : memref<80xi32, #tpu.memory_space<hbm>>) target(%arg15 : memref<80xi32, #tpu.memory_space<vmem>>) target_semaphore(%run_scoped3A : memref<!tpu.dma_semaphore, #tpu.memory_space<semaphore_mem>>)
        %dma_wait3A_359 = tpu.memref_slice %arg4[%add3A_171] : memref<640000xi32, #tpu.memory_space<hbm>> -> memref<80xi32, #tpu.memory_space<hbm>>
        %dma_wait3A_360 = tpu.memref_slice %arg4[%add3A_171] : memref<640000xi32, #tpu.memory_space<hbm>> -> memref<80xi32, #tpu.memory_space<hbm>>
        tpu.wait_dma2 semaphore(%run_scoped3A : memref<!tpu.dma_semaphore, #tpu.memory_space<semaphore_mem>>) src(%dma_wait3A_360 : memref<80xi32, #tpu.memory_space<hbm>>) dst(%arg15 : memref<80xi32, #tpu.memory_space<vmem>>)
        tpu.yield
      }) : () -> ()
      %get3A_172 = arith.constant 0 : index
      %get3A_173 = tpu.vector_load %arg14[%get3A_172] {strides = array<i32>} : memref<80xi32, #tpu.memory_space<vmem>>, vector<16xi32>,
      %get3A_174 = vector.shape_cast %get3A_173 : vector<16xi32> to vector<16xi32>
      %add3A_175 = arith.addi %get3A_174, %broadcast_in_dim3A : vector<16xi32>
      %swap3A_176 = arith.constant 0 : index
      %swap3A_177 = tpu.vector_load %arg14[%swap3A_176] {strides = array<i32>} : memref<80xi32, #tpu.memory_space<vmem>>, vector<16xi32>,
      %swap3A_178 = vector.shape_cast %swap3A_177 : vector<16xi32> to vector<16xi32>
      %swap3A_179 = vector.shape_cast %add3A_175 : vector<16xi32> to vector<16xi32>
      tpu.vector_store %arg14[%swap3A_176], %swap3A_179 {strides = array<i32>} : memref<80xi32, #tpu.memory_space<vmem>>, vector<16xi32>,
      %get3A_180 = arith.constant 16 : index
      %get3A_181 = tpu.vector_load %arg14[%get3A_180] {strides = array<i32>} : memref<80xi32, #tpu.memory_space<vmem>>, vector<16xi32>,
      %get3A_182 = vector.shape_cast %get3A_181 : vector<16xi32> to vector<16xi32>
      %add3A_183 = arith.addi %get3A_182, %broadcast_in_dim3A : vector<16xi32>
      %swap3A_184 = arith.constant 16 : index
      %swap3A_185 = tpu.vector_load %arg14[%swap3A_184] {strides = array<i32>} : memref<80xi32, #tpu.memory_space<vmem>>, vector<16xi32>,
      %swap3A_186 = vector.shape_cast %swap3A_185 : vector<16xi32> to vector<16xi32>
      %swap3A_187 = vector.shape_cast %add3A_183 : vector<16xi32> to vector<16xi32>
      tpu.vector_store %arg14[%swap3A_184], %swap3A_187 {strides = array<i32>} : memref<80xi32, #tpu.memory_space<vmem>>, vector<16xi32>,
      %get3A_188 = arith.constant 32 : index
      %get3A_189 = tpu.vector_load %arg14[%get3A_188] {strides = array<i32>} : memref<80xi32, #tpu.memory_space<vmem>>, vector<16xi32>,
      %get3A_190 = vector.shape_cast %get3A_189 : vector<16xi32> to vector<16xi32>
      %add3A_191 = arith.addi %get3A_190, %broadcast_in_dim3A : vector<16xi32>
      %swap3A_192 = arith.constant 32 : index
      %swap3A_193 = tpu.vector_load %arg14[%swap3A_192] {strides = array<i32>} : memref<80xi32, #tpu.memory_space<vmem>>, vector<16xi32>,
      %swap3A_194 = vector.shape_cast %swap3A_193 : vector<16xi32> to vector<16xi32>
      %swap3A_195 = vector.shape_cast %add3A_191 : vector<16xi32> to vector<16xi32>
      tpu.vector_store %arg14[%swap3A_192], %swap3A_195 {strides = array<i32>} : memref<80xi32, #tpu.memory_space<vmem>>, vector<16xi32>,
      %get3A_196 = arith.constant 48 : index
      %get3A_197 = tpu.vector_load %arg14[%get3A_196] {strides = array<i32>} : memref<80xi32, #tpu.memory_space<vmem>>, vector<16xi32>,
      %get3A_198 = vector.shape_cast %get3A_197 : vector<16xi32> to vector<16xi32>
      %add3A_199 = arith.addi %get3A_198, %broadcast_in_dim3A : vector<16xi32>
      %swap3A_200 = arith.constant 48 : index
      %swap3A_201 = tpu.vector_load %arg14[%swap3A_200] {strides = array<i32>} : memref<80xi32, #tpu.memory_space<vmem>>, vector<16xi32>,
      %swap3A_202 = vector.shape_cast %swap3A_201 : vector<16xi32> to vector<16xi32>
      %swap3A_203 = vector.shape_cast %add3A_199 : vector<16xi32> to vector<16xi32>
      tpu.vector_store %arg14[%swap3A_200], %swap3A_203 {strides = array<i32>} : memref<80xi32, #tpu.memory_space<vmem>>, vector<16xi32>,
      %get3A_204 = arith.constant 64 : index
      %get3A_205 = tpu.vector_load %arg14[%get3A_204] {strides = array<i32>} : memref<80xi32, #tpu.memory_space<vmem>>, vector<16xi32>,
      %get3A_206 = vector.shape_cast %get3A_205 : vector<16xi32> to vector<16xi32>
      %add3A_207 = arith.addi %get3A_206, %broadcast_in_dim3A : vector<16xi32>
      %swap3A_208 = arith.constant 64 : index
      %swap3A_209 = tpu.vector_load %arg14[%swap3A_208] {strides = array<i32>} : memref<80xi32, #tpu.memory_space<vmem>>, vector<16xi32>,
      %swap3A_210 = vector.shape_cast %swap3A_209 : vector<16xi32> to vector<16xi32>
      %swap3A_211 = vector.shape_cast %add3A_207 : vector<16xi32> to vector<16xi32>
      tpu.vector_store %arg14[%swap3A_208], %swap3A_211 {strides = array<i32>} : memref<80xi32, #tpu.memory_space<vmem>>, vector<16xi32>,
      %dma_start3A_212 = arith.constant 0 : i32
      %dma_start3A_213 = arith.constant 0 : i32
      %dma_start3A_214 = tpu.memref_slice %arg2[%dma_start3A_212, %dma_start3A_213] : memref<20000x128xf32, #tpu.memory_space<hbm>> -> memref<20000x128xf32, #tpu.memory_space<hbm>>
      tpu.enqueue_indirect_dma source(%dma_start3A_214 : memref<20000x128xf32, #tpu.memory_space<hbm>>) target(%arg16 : memref<80x128xf32, #tpu.memory_space<vmem>>) offsets(%arg14 : memref<80xi32, #tpu.memory_space<vmem>>) semaphore(%arg19 : memref<!tpu.dma_semaphore, #tpu.memory_space<semaphore_mem>>)
      %dma_wait3A = arith.constant 0 : i32
      %dma_wait3A_215 = arith.constant 0 : i32
      %dma_wait3A_216 = tpu.memref_slice %arg2[%dma_wait3A, %dma_wait3A_215] : memref<20000x128xf32, #tpu.memory_space<hbm>> -> memref<20000x128xf32, #tpu.memory_space<hbm>>
      tpu.wait_indirect_dma semaphore(%arg18 : memref<!tpu.dma_semaphore, #tpu.memory_space<semaphore_mem>>) src(%dma_wait3A_216 : memref<20000x128xf32, #tpu.memory_space<hbm>>) dst(%arg13 : memref<80x128xf32, #tpu.memory_space<vmem>>)
      %get3A_217 = arith.constant 0 : index
      %get3A_218 = tpu.vector_load %arg12[%get3A_217] {strides = array<i32>} : memref<80xi32, #tpu.memory_space<vmem>>, vector<16xi32>,
      %get3A_219 = vector.shape_cast %get3A_218 : vector<16xi32> to vector<16xi32>
      %lt3A_220 = arith.constant 5120 : i32
      %lt3A_221 = vector.broadcast %lt3A_220 : i32 to vector<16xi32>
      %lt3A_222 = arith.cmpi slt, %get3A_219, %lt3A_221 : vector<16xi32>
      %jit3A = arith.constant 5120 : i32
      %broadcast_in_dim3A_223 = vector.broadcast %jit3A : i32 to vector<16xi32>
      %select_n3A = arith.select %lt3A_222, %get3A_219, %broadcast_in_dim3A_223 : vector<16xi1>, vector<16xi32>
      %swap3A_224 = arith.constant 0 : index
      %swap3A_225 = tpu.vector_load %arg12[%swap3A_224] {strides = array<i32>} : memref<80xi32, #tpu.memory_space<vmem>>, vector<16xi32>,
      %swap3A_226 = vector.shape_cast %swap3A_225 : vector<16xi32> to vector<16xi32>
      %swap3A_227 = vector.shape_cast %select_n3A : vector<16xi32> to vector<16xi32>
      tpu.vector_store %arg12[%swap3A_224], %swap3A_227 {strides = array<i32>} : memref<80xi32, #tpu.memory_space<vmem>>, vector<16xi32>,
      %get3A_228 = arith.constant 16 : index
      %get3A_229 = tpu.vector_load %arg12[%get3A_228] {strides = array<i32>} : memref<80xi32, #tpu.memory_space<vmem>>, vector<16xi32>,
      %get3A_230 = vector.shape_cast %get3A_229 : vector<16xi32> to vector<16xi32>
      %lt3A_231 = arith.constant 5120 : i32
      %lt3A_232 = vector.broadcast %lt3A_231 : i32 to vector<16xi32>
      %lt3A_233 = arith.cmpi slt, %get3A_230, %lt3A_232 : vector<16xi32>
      %jit3A_234 = arith.constant 5120 : i32
      %broadcast_in_dim3A_235 = vector.broadcast %jit3A_234 : i32 to vector<16xi32>
      %select_n3A_236 = arith.select %lt3A_233, %get3A_230, %broadcast_in_dim3A_235 : vector<16xi1>, vector<16xi32>
      %swap3A_237 = arith.constant 16 : index
      %swap3A_238 = tpu.vector_load %arg12[%swap3A_237] {strides = array<i32>} : memref<80xi32, #tpu.memory_space<vmem>>, vector<16xi32>,
      %swap3A_239 = vector.shape_cast %swap3A_238 : vector<16xi32> to vector<16xi32>
      %swap3A_240 = vector.shape_cast %select_n3A_236 : vector<16xi32> to vector<16xi32>
      tpu.vector_store %arg12[%swap3A_237], %swap3A_240 {strides = array<i32>} : memref<80xi32, #tpu.memory_space<vmem>>, vector<16xi32>,
      %get3A_241 = arith.constant 32 : index
      %get3A_242 = tpu.vector_load %arg12[%get3A_241] {strides = array<i32>} : memref<80xi32, #tpu.memory_space<vmem>>, vector<16xi32>,
      %get3A_243 = vector.shape_cast %get3A_242 : vector<16xi32> to vector<16xi32>
      %lt3A_244 = arith.constant 5120 : i32
      %lt3A_245 = vector.broadcast %lt3A_244 : i32 to vector<16xi32>
      %lt3A_246 = arith.cmpi slt, %get3A_243, %lt3A_245 : vector<16xi32>
      %jit3A_247 = arith.constant 5120 : i32
      %broadcast_in_dim3A_248 = vector.broadcast %jit3A_247 : i32 to vector<16xi32>
      %select_n3A_249 = arith.select %lt3A_246, %get3A_243, %broadcast_in_dim3A_248 : vector<16xi1>, vector<16xi32>
      %swap3A_250 = arith.constant 32 : index
      %swap3A_251 = tpu.vector_load %arg12[%swap3A_250] {strides = array<i32>} : memref<80xi32, #tpu.memory_space<vmem>>, vector<16xi32>,
      %swap3A_252 = vector.shape_cast %swap3A_251 : vector<16xi32> to vector<16xi32>
      %swap3A_253 = vector.shape_cast %select_n3A_249 : vector<16xi32> to vector<16xi32>
      tpu.vector_store %arg12[%swap3A_250], %swap3A_253 {strides = array<i32>} : memref<80xi32, #tpu.memory_space<vmem>>, vector<16xi32>,
      %get3A_254 = arith.constant 48 : index
      %get3A_255 = tpu.vector_load %arg12[%get3A_254] {strides = array<i32>} : memref<80xi32, #tpu.memory_space<vmem>>, vector<16xi32>,
      %get3A_256 = vector.shape_cast %get3A_255 : vector<16xi32> to vector<16xi32>
      %lt3A_257 = arith.constant 5120 : i32
      %lt3A_258 = vector.broadcast %lt3A_257 : i32 to vector<16xi32>
      %lt3A_259 = arith.cmpi slt, %get3A_256, %lt3A_258 : vector<16xi32>
      %jit3A_260 = arith.constant 5120 : i32
      %broadcast_in_dim3A_261 = vector.broadcast %jit3A_260 : i32 to vector<16xi32>
      %select_n3A_262 = arith.select %lt3A_259, %get3A_256, %broadcast_in_dim3A_261 : vector<16xi1>, vector<16xi32>
      %swap3A_263 = arith.constant 48 : index
      %swap3A_264 = tpu.vector_load %arg12[%swap3A_263] {strides = array<i32>} : memref<80xi32, #tpu.memory_space<vmem>>, vector<16xi32>,
      %swap3A_265 = vector.shape_cast %swap3A_264 : vector<16xi32> to vector<16xi32>
      %swap3A_266 = vector.shape_cast %select_n3A_262 : vector<16xi32> to vector<16xi32>
      tpu.vector_store %arg12[%swap3A_263], %swap3A_266 {strides = array<i32>} : memref<80xi32, #tpu.memory_space<vmem>>, vector<16xi32>,
      %get3A_267 = arith.constant 64 : index
      %get3A_268 = tpu.vector_load %arg12[%get3A_267] {strides = array<i32>} : memref<80xi32, #tpu.memory_space<vmem>>, vector<16xi32>,
      %get3A_269 = vector.shape_cast %get3A_268 : vector<16xi32> to vector<16xi32>
      %lt3A_270 = arith.constant 5120 : i32
      %lt3A_271 = vector.broadcast %lt3A_270 : i32 to vector<16xi32>
      %lt3A_272 = arith.cmpi slt, %get3A_269, %lt3A_271 : vector<16xi32>
      %jit3A_273 = arith.constant 5120 : i32
      %broadcast_in_dim3A_274 = vector.broadcast %jit3A_273 : i32 to vector<16xi32>
      %select_n3A_275 = arith.select %lt3A_272, %get3A_269, %broadcast_in_dim3A_274 : vector<16xi1>, vector<16xi32>
      %swap3A_276 = arith.constant 64 : index
      %swap3A_277 = tpu.vector_load %arg12[%swap3A_276] {strides = array<i32>} : memref<80xi32, #tpu.memory_space<vmem>>, vector<16xi32>,
      %swap3A_278 = vector.shape_cast %swap3A_277 : vector<16xi32> to vector<16xi32>
      %swap3A_279 = vector.shape_cast %select_n3A_275 : vector<16xi32> to vector<16xi32>
      tpu.vector_store %arg12[%swap3A_276], %swap3A_279 {strides = array<i32>} : memref<80xi32, #tpu.memory_space<vmem>>, vector<16xi32>,
      "tpu.region"() ({
        %run_scoped3A = tpu.sem_alloc : memref<!tpu.dma_semaphore, #tpu.memory_space<semaphore_mem>>
        %dma_start3A_357 = arith.constant 0 : i32
        %dma_start3A_358 = arith.constant 0 : i32
        %dma_start3A_359 = tpu.memref_slice %arg9[%dma_start3A_357, %dma_start3A_358] : memref<5128x128xf32, #tpu.memory_space<vmem_shared>> -> memref<5128x128xf32, #tpu.memory_space<vmem_shared>>
        tpu.enqueue_indirect_dma source(%arg13 : memref<80x128xf32, #tpu.memory_space<vmem>>) target(%dma_start3A_359 : memref<5128x128xf32, #tpu.memory_space<vmem_shared>>) offsets(%arg12 : memref<80xi32, #tpu.memory_space<vmem>>) semaphore(%run_scoped3A : memref<!tpu.dma_semaphore, #tpu.memory_space<semaphore_mem>>) {add = true}
        %dma_wait3A_360 = arith.constant 0 : i32
        %dma_wait3A_361 = arith.constant 0 : i32
        %dma_wait3A_362 = tpu.memref_slice %arg9[%dma_wait3A_360, %dma_wait3A_361] : memref<5128x128xf32, #tpu.memory_space<vmem_shared>> -> memref<5128x128xf32, #tpu.memory_space<vmem_shared>>
        tpu.wait_indirect_dma semaphore(%run_scoped3A : memref<!tpu.dma_semaphore, #tpu.memory_space<semaphore_mem>>) src(%arg13 : memref<80x128xf32, #tpu.memory_space<vmem>>) dst(%dma_wait3A_362 : memref<5128x128xf32, #tpu.memory_space<vmem_shared>>)
        tpu.yield
      }) : () -> ()
      "tpu.region"() ({
        %run_scoped3A = tpu.sem_alloc : memref<!tpu.dma_semaphore, #tpu.memory_space<semaphore_mem>>
        %dma_start3A_357 = arith.constant 0 : i32
        %dma_start3A_358 = arith.constant 0 : i32
        %dma_start3A_359 = tpu.memref_slice %arg10[%dma_start3A_357, %dma_start3A_358] : memref<5128x128xf32, #tpu.memory_space<vmem_shared>> -> memref<5128x128xf32, #tpu.memory_space<vmem_shared>>
        tpu.enqueue_indirect_dma source(%arg17 : memref<80x128xf32, #tpu.memory_space<vmem>>) target(%dma_start3A_359 : memref<5128x128xf32, #tpu.memory_space<vmem_shared>>) offsets(%arg12 : memref<80xi32, #tpu.memory_space<vmem>>) semaphore(%run_scoped3A : memref<!tpu.dma_semaphore, #tpu.memory_space<semaphore_mem>>) {add = true}
        %dma_wait3A_360 = arith.constant 0 : i32
        %dma_wait3A_361 = arith.constant 0 : i32
        %dma_wait3A_362 = tpu.memref_slice %arg10[%dma_wait3A_360, %dma_wait3A_361] : memref<5128x128xf32, #tpu.memory_space<vmem_shared>> -> memref<5128x128xf32, #tpu.memory_space<vmem_shared>>
        tpu.wait_indirect_dma semaphore(%run_scoped3A : memref<!tpu.dma_semaphore, #tpu.memory_space<semaphore_mem>>) src(%arg17 : memref<80x128xf32, #tpu.memory_space<vmem>>) dst(%dma_wait3A_362 : memref<5128x128xf32, #tpu.memory_space<vmem_shared>>)
        tpu.yield
      }) : () -> ()
      %add3A_280 = arith.constant 2 : i32
      %add3A_281 = arith.addi %add3A_166, %add3A_280 : i32
      %add3A_282 = arith.constant 250 : i32
      %add3A_283 = arith.addi %mul3A_8, %add3A_282 : i32
      %lt3A_284 = arith.cmpi slt, %add3A_281, %add3A_283 : i32
      %convert_element_type3A_285 = arith.extui %lt3A_284 : i1 to i32
      %cond3A_286 = arith.constant 0 : i32
      %cond3A_287 = arith.cmpi ne, %convert_element_type3A_285, %cond3A_286 : i32
      scf.if %cond3A_287 {
        %add3A_357 = arith.constant 2 : i32
        %add3A_358 = arith.addi %add3A_166, %add3A_357 : i32
        %mul3A_359 = arith.constant 80 : i32
        %mul3A_360 = arith.muli %add3A_358, %mul3A_359 : i32
        %add3A_361 = arith.addi %mul3A_0, %mul3A_360 : i32
        "tpu.region"() ({
          %run_scoped3A = tpu.sem_alloc : memref<!tpu.dma_semaphore, #tpu.memory_space<semaphore_mem>>
          %dma_start3A_405 = tpu.memref_slice %arg3[%add3A_361] : memref<640000xi32, #tpu.memory_space<hbm>> -> memref<80xi32, #tpu.memory_space<hbm>>
          %dma_start3A_406 = tpu.memref_slice %arg3[%add3A_361] : memref<640000xi32, #tpu.memory_space<hbm>> -> memref<80xi32, #tpu.memory_space<hbm>>
          tpu.enqueue_dma source(%dma_start3A_406 : memref<80xi32, #tpu.memory_space<hbm>>) target(%arg11 : memref<80xi32, #tpu.memory_space<vmem>>) target_semaphore(%run_scoped3A : memref<!tpu.dma_semaphore, #tpu.memory_space<semaphore_mem>>)
          %dma_wait3A_407 = tpu.memref_slice %arg3[%add3A_361] : memref<640000xi32, #tpu.memory_space<hbm>> -> memref<80xi32, #tpu.memory_space<hbm>>
          %dma_wait3A_408 = tpu.memref_slice %arg3[%add3A_361] : memref<640000xi32, #tpu.memory_space<hbm>> -> memref<80xi32, #tpu.memory_space<hbm>>
          tpu.wait_dma2 semaphore(%run_scoped3A : memref<!tpu.dma_semaphore, #tpu.memory_space<semaphore_mem>>) src(%dma_wait3A_408 : memref<80xi32, #tpu.memory_space<hbm>>) dst(%arg11 : memref<80xi32, #tpu.memory_space<vmem>>)
          tpu.yield
        }) : () -> ()
        "tpu.region"() ({
          %run_scoped3A = tpu.sem_alloc : memref<!tpu.dma_semaphore, #tpu.memory_space<semaphore_mem>>
          %dma_start3A_405 = tpu.memref_slice %arg4[%add3A_361] : memref<640000xi32, #tpu.memory_space<hbm>> -> memref<80xi32, #tpu.memory_space<hbm>>
          %dma_start3A_406 = tpu.memref_slice %arg4[%add3A_361] : memref<640000xi32, #tpu.memory_space<hbm>> -> memref<80xi32, #tpu.memory_space<hbm>>
          tpu.enqueue_dma source(%dma_start3A_406 : memref<80xi32, #tpu.memory_space<hbm>>) target(%arg12 : memref<80xi32, #tpu.memory_space<vmem>>) target_semaphore(%run_scoped3A : memref<!tpu.dma_semaphore, #tpu.memory_space<semaphore_mem>>)
          %dma_wait3A_407 = tpu.memref_slice %arg4[%add3A_361] : memref<640000xi32, #tpu.memory_space<hbm>> -> memref<80xi32, #tpu.memory_space<hbm>>
          %dma_wait3A_408 = tpu.memref_slice %arg4[%add3A_361] : memref<640000xi32, #tpu.memory_space<hbm>> -> memref<80xi32, #tpu.memory_space<hbm>>
          tpu.wait_dma2 semaphore(%run_scoped3A : memref<!tpu.dma_semaphore, #tpu.memory_space<semaphore_mem>>) src(%dma_wait3A_408 : memref<80xi32, #tpu.memory_space<hbm>>) dst(%arg12 : memref<80xi32, #tpu.memory_space<vmem>>)
          tpu.yield
        }) : () -> ()
        %get3A_362 = arith.constant 0 : index
        %get3A_363 = tpu.vector_load %arg11[%get3A_362] {strides = array<i32>} : memref<80xi32, #tpu.memory_space<vmem>>, vector<16xi32>,
        %get3A_364 = vector.shape_cast %get3A_363 : vector<16xi32> to vector<16xi32>
        %add3A_365 = arith.addi %get3A_364, %broadcast_in_dim3A : vector<16xi32>
        %swap3A_366 = arith.constant 0 : index
        %swap3A_367 = tpu.vector_load %arg11[%swap3A_366] {strides = array<i32>} : memref<80xi32, #tpu.memory_space<vmem>>, vector<16xi32>,
        %swap3A_368 = vector.shape_cast %swap3A_367 : vector<16xi32> to vector<16xi32>
        %swap3A_369 = vector.shape_cast %add3A_365 : vector<16xi32> to vector<16xi32>
        tpu.vector_store %arg11[%swap3A_366], %swap3A_369 {strides = array<i32>} : memref<80xi32, #tpu.memory_space<vmem>>, vector<16xi32>,
        %get3A_370 = arith.constant 16 : index
        %get3A_371 = tpu.vector_load %arg11[%get3A_370] {strides = array<i32>} : memref<80xi32, #tpu.memory_space<vmem>>, vector<16xi32>,
        %get3A_372 = vector.shape_cast %get3A_371 : vector<16xi32> to vector<16xi32>
        %add3A_373 = arith.addi %get3A_372, %broadcast_in_dim3A : vector<16xi32>
        %swap3A_374 = arith.constant 16 : index
        %swap3A_375 = tpu.vector_load %arg11[%swap3A_374] {strides = array<i32>} : memref<80xi32, #tpu.memory_space<vmem>>, vector<16xi32>,
        %swap3A_376 = vector.shape_cast %swap3A_375 : vector<16xi32> to vector<16xi32>
        %swap3A_377 = vector.shape_cast %add3A_373 : vector<16xi32> to vector<16xi32>
        tpu.vector_store %arg11[%swap3A_374], %swap3A_377 {strides = array<i32>} : memref<80xi32, #tpu.memory_space<vmem>>, vector<16xi32>,
        %get3A_378 = arith.constant 32 : index
        %get3A_379 = tpu.vector_load %arg11[%get3A_378] {strides = array<i32>} : memref<80xi32, #tpu.memory_space<vmem>>, vector<16xi32>,
        %get3A_380 = vector.shape_cast %get3A_379 : vector<16xi32> to vector<16xi32>
        %add3A_381 = arith.addi %get3A_380, %broadcast_in_dim3A : vector<16xi32>
        %swap3A_382 = arith.constant 32 : index
        %swap3A_383 = tpu.vector_load %arg11[%swap3A_382] {strides = array<i32>} : memref<80xi32, #tpu.memory_space<vmem>>, vector<16xi32>,
        %swap3A_384 = vector.shape_cast %swap3A_383 : vector<16xi32> to vector<16xi32>
        %swap3A_385 = vector.shape_cast %add3A_381 : vector<16xi32> to vector<16xi32>
        tpu.vector_store %arg11[%swap3A_382], %swap3A_385 {strides = array<i32>} : memref<80xi32, #tpu.memory_space<vmem>>, vector<16xi32>,
        %get3A_386 = arith.constant 48 : index
        %get3A_387 = tpu.vector_load %arg11[%get3A_386] {strides = array<i32>} : memref<80xi32, #tpu.memory_space<vmem>>, vector<16xi32>,
        %get3A_388 = vector.shape_cast %get3A_387 : vector<16xi32> to vector<16xi32>
        %add3A_389 = arith.addi %get3A_388, %broadcast_in_dim3A : vector<16xi32>
        %swap3A_390 = arith.constant 48 : index
        %swap3A_391 = tpu.vector_load %arg11[%swap3A_390] {strides = array<i32>} : memref<80xi32, #tpu.memory_space<vmem>>, vector<16xi32>,
        %swap3A_392 = vector.shape_cast %swap3A_391 : vector<16xi32> to vector<16xi32>
        %swap3A_393 = vector.shape_cast %add3A_389 : vector<16xi32> to vector<16xi32>
        tpu.vector_store %arg11[%swap3A_390], %swap3A_393 {strides = array<i32>} : memref<80xi32, #tpu.memory_space<vmem>>, vector<16xi32>,
        %get3A_394 = arith.constant 64 : index
        %get3A_395 = tpu.vector_load %arg11[%get3A_394] {strides = array<i32>} : memref<80xi32, #tpu.memory_space<vmem>>, vector<16xi32>,
        %get3A_396 = vector.shape_cast %get3A_395 : vector<16xi32> to vector<16xi32>
        %add3A_397 = arith.addi %get3A_396, %broadcast_in_dim3A : vector<16xi32>
        %swap3A_398 = arith.constant 64 : index
        %swap3A_399 = tpu.vector_load %arg11[%swap3A_398] {strides = array<i32>} : memref<80xi32, #tpu.memory_space<vmem>>, vector<16xi32>,
        %swap3A_400 = vector.shape_cast %swap3A_399 : vector<16xi32> to vector<16xi32>
        %swap3A_401 = vector.shape_cast %add3A_397 : vector<16xi32> to vector<16xi32>
        tpu.vector_store %arg11[%swap3A_398], %swap3A_401 {strides = array<i32>} : memref<80xi32, #tpu.memory_space<vmem>>, vector<16xi32>,
        %dma_start3A_402 = arith.constant 0 : i32
        %dma_start3A_403 = arith.constant 0 : i32
        %dma_start3A_404 = tpu.memref_slice %arg2[%dma_start3A_402, %dma_start3A_403] : memref<20000x128xf32, #tpu.memory_space<hbm>> -> memref<20000x128xf32, #tpu.memory_space<hbm>>
        tpu.enqueue_indirect_dma source(%dma_start3A_404 : memref<20000x128xf32, #tpu.memory_space<hbm>>) target(%arg13 : memref<80x128xf32, #tpu.memory_space<vmem>>) offsets(%arg11 : memref<80xi32, #tpu.memory_space<vmem>>) semaphore(%arg18 : memref<!tpu.dma_semaphore, #tpu.memory_space<semaphore_mem>>)
      } else {
      }
      %dma_wait3A_288 = arith.constant 0 : i32
      %dma_wait3A_289 = arith.constant 0 : i32
      %dma_wait3A_290 = tpu.memref_slice %arg2[%dma_wait3A_288, %dma_wait3A_289] : memref<20000x128xf32, #tpu.memory_space<hbm>> -> memref<20000x128xf32, #tpu.memory_space<hbm>>
      tpu.wait_indirect_dma semaphore(%arg19 : memref<!tpu.dma_semaphore, #tpu.memory_space<semaphore_mem>>) src(%dma_wait3A_290 : memref<20000x128xf32, #tpu.memory_space<hbm>>) dst(%arg16 : memref<80x128xf32, #tpu.memory_space<vmem>>)
      %get3A_291 = arith.constant 0 : index
      %get3A_292 = tpu.vector_load %arg15[%get3A_291] {strides = array<i32>} : memref<80xi32, #tpu.memory_space<vmem>>, vector<16xi32>,
      %get3A_293 = vector.shape_cast %get3A_292 : vector<16xi32> to vector<16xi32>
      %lt3A_294 = arith.constant 5120 : i32
      %lt3A_295 = vector.broadcast %lt3A_294 : i32 to vector<16xi32>
      %lt3A_296 = arith.cmpi slt, %get3A_293, %lt3A_295 : vector<16xi32>
      %jit3A_297 = arith.constant 5120 : i32
      %broadcast_in_dim3A_298 = vector.broadcast %jit3A_297 : i32 to vector<16xi32>
      %select_n3A_299 = arith.select %lt3A_296, %get3A_293, %broadcast_in_dim3A_298 : vector<16xi1>, vector<16xi32>
      %swap3A_300 = arith.constant 0 : index
      %swap3A_301 = tpu.vector_load %arg15[%swap3A_300] {strides = array<i32>} : memref<80xi32, #tpu.memory_space<vmem>>, vector<16xi32>,
      %swap3A_302 = vector.shape_cast %swap3A_301 : vector<16xi32> to vector<16xi32>
      %swap3A_303 = vector.shape_cast %select_n3A_299 : vector<16xi32> to vector<16xi32>
      tpu.vector_store %arg15[%swap3A_300], %swap3A_303 {strides = array<i32>} : memref<80xi32, #tpu.memory_space<vmem>>, vector<16xi32>,
      %get3A_304 = arith.constant 16 : index
      %get3A_305 = tpu.vector_load %arg15[%get3A_304] {strides = array<i32>} : memref<80xi32, #tpu.memory_space<vmem>>, vector<16xi32>,
      %get3A_306 = vector.shape_cast %get3A_305 : vector<16xi32> to vector<16xi32>
      %lt3A_307 = arith.constant 5120 : i32
      %lt3A_308 = vector.broadcast %lt3A_307 : i32 to vector<16xi32>
      %lt3A_309 = arith.cmpi slt, %get3A_306, %lt3A_308 : vector<16xi32>
      %jit3A_310 = arith.constant 5120 : i32
      %broadcast_in_dim3A_311 = vector.broadcast %jit3A_310 : i32 to vector<16xi32>
      %select_n3A_312 = arith.select %lt3A_309, %get3A_306, %broadcast_in_dim3A_311 : vector<16xi1>, vector<16xi32>
      %swap3A_313 = arith.constant 16 : index
      %swap3A_314 = tpu.vector_load %arg15[%swap3A_313] {strides = array<i32>} : memref<80xi32, #tpu.memory_space<vmem>>, vector<16xi32>,
      %swap3A_315 = vector.shape_cast %swap3A_314 : vector<16xi32> to vector<16xi32>
      %swap3A_316 = vector.shape_cast %select_n3A_312 : vector<16xi32> to vector<16xi32>
      tpu.vector_store %arg15[%swap3A_313], %swap3A_316 {strides = array<i32>} : memref<80xi32, #tpu.memory_space<vmem>>, vector<16xi32>,
      %get3A_317 = arith.constant 32 : index
      %get3A_318 = tpu.vector_load %arg15[%get3A_317] {strides = array<i32>} : memref<80xi32, #tpu.memory_space<vmem>>, vector<16xi32>,
      %get3A_319 = vector.shape_cast %get3A_318 : vector<16xi32> to vector<16xi32>
      %lt3A_320 = arith.constant 5120 : i32
      %lt3A_321 = vector.broadcast %lt3A_320 : i32 to vector<16xi32>
      %lt3A_322 = arith.cmpi slt, %get3A_319, %lt3A_321 : vector<16xi32>
      %jit3A_323 = arith.constant 5120 : i32
      %broadcast_in_dim3A_324 = vector.broadcast %jit3A_323 : i32 to vector<16xi32>
      %select_n3A_325 = arith.select %lt3A_322, %get3A_319, %broadcast_in_dim3A_324 : vector<16xi1>, vector<16xi32>
      %swap3A_326 = arith.constant 32 : index
      %swap3A_327 = tpu.vector_load %arg15[%swap3A_326] {strides = array<i32>} : memref<80xi32, #tpu.memory_space<vmem>>, vector<16xi32>,
      %swap3A_328 = vector.shape_cast %swap3A_327 : vector<16xi32> to vector<16xi32>
      %swap3A_329 = vector.shape_cast %select_n3A_325 : vector<16xi32> to vector<16xi32>
      tpu.vector_store %arg15[%swap3A_326], %swap3A_329 {strides = array<i32>} : memref<80xi32, #tpu.memory_space<vmem>>, vector<16xi32>,
      %get3A_330 = arith.constant 48 : index
      %get3A_331 = tpu.vector_load %arg15[%get3A_330] {strides = array<i32>} : memref<80xi32, #tpu.memory_space<vmem>>, vector<16xi32>,
      %get3A_332 = vector.shape_cast %get3A_331 : vector<16xi32> to vector<16xi32>
      %lt3A_333 = arith.constant 5120 : i32
      %lt3A_334 = vector.broadcast %lt3A_333 : i32 to vector<16xi32>
      %lt3A_335 = arith.cmpi slt, %get3A_332, %lt3A_334 : vector<16xi32>
      %jit3A_336 = arith.constant 5120 : i32
      %broadcast_in_dim3A_337 = vector.broadcast %jit3A_336 : i32 to vector<16xi32>
      %select_n3A_338 = arith.select %lt3A_335, %get3A_332, %broadcast_in_dim3A_337 : vector<16xi1>, vector<16xi32>
      %swap3A_339 = arith.constant 48 : index
      %swap3A_340 = tpu.vector_load %arg15[%swap3A_339] {strides = array<i32>} : memref<80xi32, #tpu.memory_space<vmem>>, vector<16xi32>,
      %swap3A_341 = vector.shape_cast %swap3A_340 : vector<16xi32> to vector<16xi32>
      %swap3A_342 = vector.shape_cast %select_n3A_338 : vector<16xi32> to vector<16xi32>
      tpu.vector_store %arg15[%swap3A_339], %swap3A_342 {strides = array<i32>} : memref<80xi32, #tpu.memory_space<vmem>>, vector<16xi32>,
      %get3A_343 = arith.constant 64 : index
      %get3A_344 = tpu.vector_load %arg15[%get3A_343] {strides = array<i32>} : memref<80xi32, #tpu.memory_space<vmem>>, vector<16xi32>,
      %get3A_345 = vector.shape_cast %get3A_344 : vector<16xi32> to vector<16xi32>
      %lt3A_346 = arith.constant 5120 : i32
      %lt3A_347 = vector.broadcast %lt3A_346 : i32 to vector<16xi32>
      %lt3A_348 = arith.cmpi slt, %get3A_345, %lt3A_347 : vector<16xi32>
      %jit3A_349 = arith.constant 5120 : i32
      %broadcast_in_dim3A_350 = vector.broadcast %jit3A_349 : i32 to vector<16xi32>
      %select_n3A_351 = arith.select %lt3A_348, %get3A_345, %broadcast_in_dim3A_350 : vector<16xi1>, vector<16xi32>
      %swap3A_352 = arith.constant 64 : index
      %swap3A_353 = tpu.vector_load %arg15[%swap3A_352] {strides = array<i32>} : memref<80xi32, #tpu.memory_space<vmem>>, vector<16xi32>,
      %swap3A_354 = vector.shape_cast %swap3A_353 : vector<16xi32> to vector<16xi32>
      %swap3A_355 = vector.shape_cast %select_n3A_351 : vector<16xi32> to vector<16xi32>
      tpu.vector_store %arg15[%swap3A_352], %swap3A_355 {strides = array<i32>} : memref<80xi32, #tpu.memory_space<vmem>>, vector<16xi32>,
      "tpu.region"() ({
        %run_scoped3A = tpu.sem_alloc : memref<!tpu.dma_semaphore, #tpu.memory_space<semaphore_mem>>
        %dma_start3A_357 = arith.constant 0 : i32
        %dma_start3A_358 = arith.constant 0 : i32
        %dma_start3A_359 = tpu.memref_slice %arg9[%dma_start3A_357, %dma_start3A_358] : memref<5128x128xf32, #tpu.memory_space<vmem_shared>> -> memref<5128x128xf32, #tpu.memory_space<vmem_shared>>
        tpu.enqueue_indirect_dma source(%arg16 : memref<80x128xf32, #tpu.memory_space<vmem>>) target(%dma_start3A_359 : memref<5128x128xf32, #tpu.memory_space<vmem_shared>>) offsets(%arg15 : memref<80xi32, #tpu.memory_space<vmem>>) semaphore(%run_scoped3A : memref<!tpu.dma_semaphore, #tpu.memory_space<semaphore_mem>>) {add = true}
        %dma_wait3A_360 = arith.constant 0 : i32
        %dma_wait3A_361 = arith.constant 0 : i32
        %dma_wait3A_362 = tpu.memref_slice %arg9[%dma_wait3A_360, %dma_wait3A_361] : memref<5128x128xf32, #tpu.memory_space<vmem_shared>> -> memref<5128x128xf32, #tpu.memory_space<vmem_shared>>
        tpu.wait_indirect_dma semaphore(%run_scoped3A : memref<!tpu.dma_semaphore, #tpu.memory_space<semaphore_mem>>) src(%arg16 : memref<80x128xf32, #tpu.memory_space<vmem>>) dst(%dma_wait3A_362 : memref<5128x128xf32, #tpu.memory_space<vmem_shared>>)
        tpu.yield
      }) : () -> ()
      "tpu.region"() ({
        %run_scoped3A = tpu.sem_alloc : memref<!tpu.dma_semaphore, #tpu.memory_space<semaphore_mem>>
        %dma_start3A_357 = arith.constant 0 : i32
        %dma_start3A_358 = arith.constant 0 : i32
        %dma_start3A_359 = tpu.memref_slice %arg10[%dma_start3A_357, %dma_start3A_358] : memref<5128x128xf32, #tpu.memory_space<vmem_shared>> -> memref<5128x128xf32, #tpu.memory_space<vmem_shared>>
        tpu.enqueue_indirect_dma source(%arg17 : memref<80x128xf32, #tpu.memory_space<vmem>>) target(%dma_start3A_359 : memref<5128x128xf32, #tpu.memory_space<vmem_shared>>) offsets(%arg15 : memref<80xi32, #tpu.memory_space<vmem>>) semaphore(%run_scoped3A : memref<!tpu.dma_semaphore, #tpu.memory_space<semaphore_mem>>) {add = true}
        %dma_wait3A_360 = arith.constant 0 : i32
        %dma_wait3A_361 = arith.constant 0 : i32
        %dma_wait3A_362 = tpu.memref_slice %arg10[%dma_wait3A_360, %dma_wait3A_361] : memref<5128x128xf32, #tpu.memory_space<vmem_shared>> -> memref<5128x128xf32, #tpu.memory_space<vmem_shared>>
        tpu.wait_indirect_dma semaphore(%run_scoped3A : memref<!tpu.dma_semaphore, #tpu.memory_space<semaphore_mem>>) src(%arg17 : memref<80x128xf32, #tpu.memory_space<vmem>>) dst(%dma_wait3A_362 : memref<5128x128xf32, #tpu.memory_space<vmem_shared>>)
        tpu.yield
      }) : () -> ()
      %scan3A_356 = arith.constant 0 : i32
      scf.yield %scan3A_356 : i32
    }
    %scan3A_56 = arith.constant 125 : i32
    %lt3A = arith.constant 0 : i32
    %lt3A_57 = arith.cmpi slt, %arg1, %lt3A : i32
    %convert_element_type3A = arith.extui %lt3A_57 : i1 to i32
    %cond3A = arith.constant 0 : i32
    %cond3A_58 = arith.cmpi ne, %convert_element_type3A, %cond3A : i32
    scf.if %cond3A_58 {
      %add3A_162 = arith.constant 4000 : i32
      %add3A_163 = arith.addi %add3A_162, %arg1 : i32
      %mul3A_164 = arith.constant 80 : i32
      %mul3A_165 = arith.muli %add3A_163, %mul3A_164 : i32
      %add3A_166 = arith.addi %mul3A_0, %mul3A_165 : i32
      "tpu.region"() ({
        %run_scoped3A = tpu.sem_alloc : memref<!tpu.dma_semaphore, #tpu.memory_space<semaphore_mem>>
        %dma_start3A_275 = tpu.memref_slice %arg3[%add3A_166] : memref<640000xi32, #tpu.memory_space<hbm>> -> memref<80xi32, #tpu.memory_space<hbm>>
        %dma_start3A_276 = tpu.memref_slice %arg3[%add3A_166] : memref<640000xi32, #tpu.memory_space<hbm>> -> memref<80xi32, #tpu.memory_space<hbm>>
        tpu.enqueue_dma source(%dma_start3A_276 : memref<80xi32, #tpu.memory_space<hbm>>) target(%arg11 : memref<80xi32, #tpu.memory_space<vmem>>) target_semaphore(%run_scoped3A : memref<!tpu.dma_semaphore, #tpu.memory_space<semaphore_mem>>)
        %dma_wait3A_277 = tpu.memref_slice %arg3[%add3A_166] : memref<640000xi32, #tpu.memory_space<hbm>> -> memref<80xi32, #tpu.memory_space<hbm>>
        %dma_wait3A_278 = tpu.memref_slice %arg3[%add3A_166] : memref<640000xi32, #tpu.memory_space<hbm>> -> memref<80xi32, #tpu.memory_space<hbm>>
        tpu.wait_dma2 semaphore(%run_scoped3A : memref<!tpu.dma_semaphore, #tpu.memory_space<semaphore_mem>>) src(%dma_wait3A_278 : memref<80xi32, #tpu.memory_space<hbm>>) dst(%arg11 : memref<80xi32, #tpu.memory_space<vmem>>)
        tpu.yield
      }) : () -> ()
      "tpu.region"() ({
        %run_scoped3A = tpu.sem_alloc : memref<!tpu.dma_semaphore, #tpu.memory_space<semaphore_mem>>
        %dma_start3A_275 = tpu.memref_slice %arg4[%add3A_166] : memref<640000xi32, #tpu.memory_space<hbm>> -> memref<80xi32, #tpu.memory_space<hbm>>
        %dma_start3A_276 = tpu.memref_slice %arg4[%add3A_166] : memref<640000xi32, #tpu.memory_space<hbm>> -> memref<80xi32, #tpu.memory_space<hbm>>
        tpu.enqueue_dma source(%dma_start3A_276 : memref<80xi32, #tpu.memory_space<hbm>>) target(%arg12 : memref<80xi32, #tpu.memory_space<vmem>>) target_semaphore(%run_scoped3A : memref<!tpu.dma_semaphore, #tpu.memory_space<semaphore_mem>>)
        %dma_wait3A_277 = tpu.memref_slice %arg4[%add3A_166] : memref<640000xi32, #tpu.memory_space<hbm>> -> memref<80xi32, #tpu.memory_space<hbm>>
        %dma_wait3A_278 = tpu.memref_slice %arg4[%add3A_166] : memref<640000xi32, #tpu.memory_space<hbm>> -> memref<80xi32, #tpu.memory_space<hbm>>
        tpu.wait_dma2 semaphore(%run_scoped3A : memref<!tpu.dma_semaphore, #tpu.memory_space<semaphore_mem>>) src(%dma_wait3A_278 : memref<80xi32, #tpu.memory_space<hbm>>) dst(%arg12 : memref<80xi32, #tpu.memory_space<vmem>>)
        tpu.yield
      }) : () -> ()
      %get3A_167 = arith.constant 0 : index
      %get3A_168 = tpu.vector_load %arg11[%get3A_167] {strides = array<i32>} : memref<80xi32, #tpu.memory_space<vmem>>, vector<16xi32>,
      %get3A_169 = vector.shape_cast %get3A_168 : vector<16xi32> to vector<16xi32>
      %add3A_170 = arith.addi %get3A_169, %broadcast_in_dim3A : vector<16xi32>
      %swap3A_171 = arith.constant 0 : index
      %swap3A_172 = tpu.vector_load %arg11[%swap3A_171] {strides = array<i32>} : memref<80xi32, #tpu.memory_space<vmem>>, vector<16xi32>,
      %swap3A_173 = vector.shape_cast %swap3A_172 : vector<16xi32> to vector<16xi32>
      %swap3A_174 = vector.shape_cast %add3A_170 : vector<16xi32> to vector<16xi32>
      tpu.vector_store %arg11[%swap3A_171], %swap3A_174 {strides = array<i32>} : memref<80xi32, #tpu.memory_space<vmem>>, vector<16xi32>,
      %get3A_175 = arith.constant 16 : index
      %get3A_176 = tpu.vector_load %arg11[%get3A_175] {strides = array<i32>} : memref<80xi32, #tpu.memory_space<vmem>>, vector<16xi32>,
      %get3A_177 = vector.shape_cast %get3A_176 : vector<16xi32> to vector<16xi32>
      %add3A_178 = arith.addi %get3A_177, %broadcast_in_dim3A : vector<16xi32>
      %swap3A_179 = arith.constant 16 : index
      %swap3A_180 = tpu.vector_load %arg11[%swap3A_179] {strides = array<i32>} : memref<80xi32, #tpu.memory_space<vmem>>, vector<16xi32>,
      %swap3A_181 = vector.shape_cast %swap3A_180 : vector<16xi32> to vector<16xi32>
      %swap3A_182 = vector.shape_cast %add3A_178 : vector<16xi32> to vector<16xi32>
      tpu.vector_store %arg11[%swap3A_179], %swap3A_182 {strides = array<i32>} : memref<80xi32, #tpu.memory_space<vmem>>, vector<16xi32>,
      %get3A_183 = arith.constant 32 : index
      %get3A_184 = tpu.vector_load %arg11[%get3A_183] {strides = array<i32>} : memref<80xi32, #tpu.memory_space<vmem>>, vector<16xi32>,
      %get3A_185 = vector.shape_cast %get3A_184 : vector<16xi32> to vector<16xi32>
      %add3A_186 = arith.addi %get3A_185, %broadcast_in_dim3A : vector<16xi32>
      %swap3A_187 = arith.constant 32 : index
      %swap3A_188 = tpu.vector_load %arg11[%swap3A_187] {strides = array<i32>} : memref<80xi32, #tpu.memory_space<vmem>>, vector<16xi32>,
      %swap3A_189 = vector.shape_cast %swap3A_188 : vector<16xi32> to vector<16xi32>
      %swap3A_190 = vector.shape_cast %add3A_186 : vector<16xi32> to vector<16xi32>
      tpu.vector_store %arg11[%swap3A_187], %swap3A_190 {strides = array<i32>} : memref<80xi32, #tpu.memory_space<vmem>>, vector<16xi32>,
      %get3A_191 = arith.constant 48 : index
      %get3A_192 = tpu.vector_load %arg11[%get3A_191] {strides = array<i32>} : memref<80xi32, #tpu.memory_space<vmem>>, vector<16xi32>,
      %get3A_193 = vector.shape_cast %get3A_192 : vector<16xi32> to vector<16xi32>
      %add3A_194 = arith.addi %get3A_193, %broadcast_in_dim3A : vector<16xi32>
      %swap3A_195 = arith.constant 48 : index
      %swap3A_196 = tpu.vector_load %arg11[%swap3A_195] {strides = array<i32>} : memref<80xi32, #tpu.memory_space<vmem>>, vector<16xi32>,
      %swap3A_197 = vector.shape_cast %swap3A_196 : vector<16xi32> to vector<16xi32>
      %swap3A_198 = vector.shape_cast %add3A_194 : vector<16xi32> to vector<16xi32>
      tpu.vector_store %arg11[%swap3A_195], %swap3A_198 {strides = array<i32>} : memref<80xi32, #tpu.memory_space<vmem>>, vector<16xi32>,
      %get3A_199 = arith.constant 64 : index
      %get3A_200 = tpu.vector_load %arg11[%get3A_199] {strides = array<i32>} : memref<80xi32, #tpu.memory_space<vmem>>, vector<16xi32>,
      %get3A_201 = vector.shape_cast %get3A_200 : vector<16xi32> to vector<16xi32>
      %add3A_202 = arith.addi %get3A_201, %broadcast_in_dim3A : vector<16xi32>
      %swap3A_203 = arith.constant 64 : index
      %swap3A_204 = tpu.vector_load %arg11[%swap3A_203] {strides = array<i32>} : memref<80xi32, #tpu.memory_space<vmem>>, vector<16xi32>,
      %swap3A_205 = vector.shape_cast %swap3A_204 : vector<16xi32> to vector<16xi32>
      %swap3A_206 = vector.shape_cast %add3A_202 : vector<16xi32> to vector<16xi32>
      tpu.vector_store %arg11[%swap3A_203], %swap3A_206 {strides = array<i32>} : memref<80xi32, #tpu.memory_space<vmem>>, vector<16xi32>,
      %dma_start3A_207 = arith.constant 0 : i32
      %dma_start3A_208 = arith.constant 0 : i32
      %dma_start3A_209 = tpu.memref_slice %arg2[%dma_start3A_207, %dma_start3A_208] : memref<20000x128xf32, #tpu.memory_space<hbm>> -> memref<20000x128xf32, #tpu.memory_space<hbm>>
      tpu.enqueue_indirect_dma source(%dma_start3A_209 : memref<20000x128xf32, #tpu.memory_space<hbm>>) target(%arg13 : memref<80x128xf32, #tpu.memory_space<vmem>>) offsets(%arg11 : memref<80xi32, #tpu.memory_space<vmem>>) semaphore(%arg18 : memref<!tpu.dma_semaphore, #tpu.memory_space<semaphore_mem>>)
      %dma_wait3A = arith.constant 0 : i32
      %dma_wait3A_210 = arith.constant 0 : i32
      %dma_wait3A_211 = tpu.memref_slice %arg2[%dma_wait3A, %dma_wait3A_210] : memref<20000x128xf32, #tpu.memory_space<hbm>> -> memref<20000x128xf32, #tpu.memory_space<hbm>>
      tpu.wait_indirect_dma semaphore(%arg18 : memref<!tpu.dma_semaphore, #tpu.memory_space<semaphore_mem>>) src(%dma_wait3A_211 : memref<20000x128xf32, #tpu.memory_space<hbm>>) dst(%arg13 : memref<80x128xf32, #tpu.memory_space<vmem>>)
      %get3A_212 = arith.constant 0 : index
      %get3A_213 = tpu.vector_load %arg12[%get3A_212] {strides = array<i32>} : memref<80xi32, #tpu.memory_space<vmem>>, vector<16xi32>,
      %get3A_214 = vector.shape_cast %get3A_213 : vector<16xi32> to vector<16xi32>
      %lt3A_215 = arith.constant 5120 : i32
      %lt3A_216 = vector.broadcast %lt3A_215 : i32 to vector<16xi32>
      %lt3A_217 = arith.cmpi slt, %get3A_214, %lt3A_216 : vector<16xi32>
      %jit3A = arith.constant 5120 : i32
      %broadcast_in_dim3A_218 = vector.broadcast %jit3A : i32 to vector<16xi32>
      %select_n3A = arith.select %lt3A_217, %get3A_214, %broadcast_in_dim3A_218 : vector<16xi1>, vector<16xi32>
      %swap3A_219 = arith.constant 0 : index
      %swap3A_220 = tpu.vector_load %arg12[%swap3A_219] {strides = array<i32>} : memref<80xi32, #tpu.memory_space<vmem>>, vector<16xi32>,
      %swap3A_221 = vector.shape_cast %swap3A_220 : vector<16xi32> to vector<16xi32>
      %swap3A_222 = vector.shape_cast %select_n3A : vector<16xi32> to vector<16xi32>
      tpu.vector_store %arg12[%swap3A_219], %swap3A_222 {strides = array<i32>} : memref<80xi32, #tpu.memory_space<vmem>>, vector<16xi32>,
      %get3A_223 = arith.constant 16 : index
      %get3A_224 = tpu.vector_load %arg12[%get3A_223] {strides = array<i32>} : memref<80xi32, #tpu.memory_space<vmem>>, vector<16xi32>,
      %get3A_225 = vector.shape_cast %get3A_224 : vector<16xi32> to vector<16xi32>
      %lt3A_226 = arith.constant 5120 : i32
      %lt3A_227 = vector.broadcast %lt3A_226 : i32 to vector<16xi32>
      %lt3A_228 = arith.cmpi slt, %get3A_225, %lt3A_227 : vector<16xi32>
      %jit3A_229 = arith.constant 5120 : i32
      %broadcast_in_dim3A_230 = vector.broadcast %jit3A_229 : i32 to vector<16xi32>
      %select_n3A_231 = arith.select %lt3A_228, %get3A_225, %broadcast_in_dim3A_230 : vector<16xi1>, vector<16xi32>
      %swap3A_232 = arith.constant 16 : index
      %swap3A_233 = tpu.vector_load %arg12[%swap3A_232] {strides = array<i32>} : memref<80xi32, #tpu.memory_space<vmem>>, vector<16xi32>,
      %swap3A_234 = vector.shape_cast %swap3A_233 : vector<16xi32> to vector<16xi32>
      %swap3A_235 = vector.shape_cast %select_n3A_231 : vector<16xi32> to vector<16xi32>
      tpu.vector_store %arg12[%swap3A_232], %swap3A_235 {strides = array<i32>} : memref<80xi32, #tpu.memory_space<vmem>>, vector<16xi32>,
      %get3A_236 = arith.constant 32 : index
      %get3A_237 = tpu.vector_load %arg12[%get3A_236] {strides = array<i32>} : memref<80xi32, #tpu.memory_space<vmem>>, vector<16xi32>,
      %get3A_238 = vector.shape_cast %get3A_237 : vector<16xi32> to vector<16xi32>
      %lt3A_239 = arith.constant 5120 : i32
      %lt3A_240 = vector.broadcast %lt3A_239 : i32 to vector<16xi32>
      %lt3A_241 = arith.cmpi slt, %get3A_238, %lt3A_240 : vector<16xi32>
      %jit3A_242 = arith.constant 5120 : i32
      %broadcast_in_dim3A_243 = vector.broadcast %jit3A_242 : i32 to vector<16xi32>
      %select_n3A_244 = arith.select %lt3A_241, %get3A_238, %broadcast_in_dim3A_243 : vector<16xi1>, vector<16xi32>
      %swap3A_245 = arith.constant 32 : index
      %swap3A_246 = tpu.vector_load %arg12[%swap3A_245] {strides = array<i32>} : memref<80xi32, #tpu.memory_space<vmem>>, vector<16xi32>,
      %swap3A_247 = vector.shape_cast %swap3A_246 : vector<16xi32> to vector<16xi32>
      %swap3A_248 = vector.shape_cast %select_n3A_244 : vector<16xi32> to vector<16xi32>
      tpu.vector_store %arg12[%swap3A_245], %swap3A_248 {strides = array<i32>} : memref<80xi32, #tpu.memory_space<vmem>>, vector<16xi32>,
      %get3A_249 = arith.constant 48 : index
      %get3A_250 = tpu.vector_load %arg12[%get3A_249] {strides = array<i32>} : memref<80xi32, #tpu.memory_space<vmem>>, vector<16xi32>,
      %get3A_251 = vector.shape_cast %get3A_250 : vector<16xi32> to vector<16xi32>
      %lt3A_252 = arith.constant 5120 : i32
      %lt3A_253 = vector.broadcast %lt3A_252 : i32 to vector<16xi32>
      %lt3A_254 = arith.cmpi slt, %get3A_251, %lt3A_253 : vector<16xi32>
      %jit3A_255 = arith.constant 5120 : i32
      %broadcast_in_dim3A_256 = vector.broadcast %jit3A_255 : i32 to vector<16xi32>
      %select_n3A_257 = arith.select %lt3A_254, %get3A_251, %broadcast_in_dim3A_256 : vector<16xi1>, vector<16xi32>
      %swap3A_258 = arith.constant 48 : index
      %swap3A_259 = tpu.vector_load %arg12[%swap3A_258] {strides = array<i32>} : memref<80xi32, #tpu.memory_space<vmem>>, vector<16xi32>,
      %swap3A_260 = vector.shape_cast %swap3A_259 : vector<16xi32> to vector<16xi32>
      %swap3A_261 = vector.shape_cast %select_n3A_257 : vector<16xi32> to vector<16xi32>
      tpu.vector_store %arg12[%swap3A_258], %swap3A_261 {strides = array<i32>} : memref<80xi32, #tpu.memory_space<vmem>>, vector<16xi32>,
      %get3A_262 = arith.constant 64 : index
      %get3A_263 = tpu.vector_load %arg12[%get3A_262] {strides = array<i32>} : memref<80xi32, #tpu.memory_space<vmem>>, vector<16xi32>,
      %get3A_264 = vector.shape_cast %get3A_263 : vector<16xi32> to vector<16xi32>
      %lt3A_265 = arith.constant 5120 : i32
      %lt3A_266 = vector.broadcast %lt3A_265 : i32 to vector<16xi32>
      %lt3A_267 = arith.cmpi slt, %get3A_264, %lt3A_266 : vector<16xi32>
      %jit3A_268 = arith.constant 5120 : i32
      %broadcast_in_dim3A_269 = vector.broadcast %jit3A_268 : i32 to vector<16xi32>
      %select_n3A_270 = arith.select %lt3A_267, %get3A_264, %broadcast_in_dim3A_269 : vector<16xi1>, vector<16xi32>
      %swap3A_271 = arith.constant 64 : index
      %swap3A_272 = tpu.vector_load %arg12[%swap3A_271] {strides = array<i32>} : memref<80xi32, #tpu.memory_space<vmem>>, vector<16xi32>,
      %swap3A_273 = vector.shape_cast %swap3A_272 : vector<16xi32> to vector<16xi32>
      %swap3A_274 = vector.shape_cast %select_n3A_270 : vector<16xi32> to vector<16xi32>
      tpu.vector_store %arg12[%swap3A_271], %swap3A_274 {strides = array<i32>} : memref<80xi32, #tpu.memory_space<vmem>>, vector<16xi32>,
      "tpu.region"() ({
        %run_scoped3A = tpu.sem_alloc : memref<!tpu.dma_semaphore, #tpu.memory_space<semaphore_mem>>
        %dma_start3A_275 = arith.constant 0 : i32
        %dma_start3A_276 = arith.constant 0 : i32
        %dma_start3A_277 = tpu.memref_slice %arg9[%dma_start3A_275, %dma_start3A_276] : memref<5128x128xf32, #tpu.memory_space<vmem_shared>> -> memref<5128x128xf32, #tpu.memory_space<vmem_shared>>
        tpu.enqueue_indirect_dma source(%arg13 : memref<80x128xf32, #tpu.memory_space<vmem>>) target(%dma_start3A_277 : memref<5128x128xf32, #tpu.memory_space<vmem_shared>>) offsets(%arg12 : memref<80xi32, #tpu.memory_space<vmem>>) semaphore(%run_scoped3A : memref<!tpu.dma_semaphore, #tpu.memory_space<semaphore_mem>>) {add = true}
        %dma_wait3A_278 = arith.constant 0 : i32
        %dma_wait3A_279 = arith.constant 0 : i32
        %dma_wait3A_280 = tpu.memref_slice %arg9[%dma_wait3A_278, %dma_wait3A_279] : memref<5128x128xf32, #tpu.memory_space<vmem_shared>> -> memref<5128x128xf32, #tpu.memory_space<vmem_shared>>
        tpu.wait_indirect_dma semaphore(%run_scoped3A : memref<!tpu.dma_semaphore, #tpu.memory_space<semaphore_mem>>) src(%arg13 : memref<80x128xf32, #tpu.memory_space<vmem>>) dst(%dma_wait3A_280 : memref<5128x128xf32, #tpu.memory_space<vmem_shared>>)
        tpu.yield
      }) : () -> ()
      "tpu.region"() ({
        %run_scoped3A = tpu.sem_alloc : memref<!tpu.dma_semaphore, #tpu.memory_space<semaphore_mem>>
        %dma_start3A_275 = arith.constant 0 : i32
        %dma_start3A_276 = arith.constant 0 : i32
        %dma_start3A_277 = tpu.memref_slice %arg10[%dma_start3A_275, %dma_start3A_276] : memref<5128x128xf32, #tpu.memory_space<vmem_shared>> -> memref<5128x128xf32, #tpu.memory_space<vmem_shared>>
        tpu.enqueue_indirect_dma source(%arg17 : memref<80x128xf32, #tpu.memory_space<vmem>>) target(%dma_start3A_277 : memref<5128x128xf32, #tpu.memory_space<vmem_shared>>) offsets(%arg12 : memref<80xi32, #tpu.memory_space<vmem>>) semaphore(%run_scoped3A : memref<!tpu.dma_semaphore, #tpu.memory_space<semaphore_mem>>) {add = true}
        %dma_wait3A_278 = arith.constant 0 : i32
        %dma_wait3A_279 = arith.constant 0 : i32
        %dma_wait3A_280 = tpu.memref_slice %arg10[%dma_wait3A_278, %dma_wait3A_279] : memref<5128x128xf32, #tpu.memory_space<vmem_shared>> -> memref<5128x128xf32, #tpu.memory_space<vmem_shared>>
        tpu.wait_indirect_dma semaphore(%run_scoped3A : memref<!tpu.dma_semaphore, #tpu.memory_space<semaphore_mem>>) src(%arg17 : memref<80x128xf32, #tpu.memory_space<vmem>>) dst(%dma_wait3A_280 : memref<5128x128xf32, #tpu.memory_space<vmem_shared>>)
        tpu.yield
      }) : () -> ()
    } else {
    }
    %barrier3A_59 = arith.constant 0 : index
    tpu.barrier barrier_id(%barrier3A_59)
    %mul3A_60 = arith.constant 320 : i32
    %mul3A_61 = arith.muli %arg1, %mul3A_60 : i32
    %mul3A_62 = arith.constant 10240 : i32
    %mul3A_63 = arith.muli %arg0, %mul3A_62 : i32
    %add3A_64 = arith.constant 0 : i32
    %add3A_65 = arith.addi %mul3A_63, %add3A_64 : i32
    %mul3A_66 = arith.constant 320 : i32
    %mul3A_67 = arith.muli %arg1, %mul3A_66 : i32
    %add3A_68 = arith.addi %add3A_65, %mul3A_67 : i32
    "tpu.region"() ({
      %run_scoped3A = tpu.sem_alloc : memref<!tpu.dma_semaphore, #tpu.memory_space<semaphore_mem>>
      %dma_start3A_162 = arith.constant 0 : i32
      %dma_start3A_163 = tpu.memref_slice %arg7[%add3A_68, %dma_start3A_162] : memref<20480x128xf32, #tpu.memory_space<hbm>> -> memref<320x128xf32, #tpu.memory_space<hbm>>
      %dma_start3A_164 = arith.constant 0 : i32
      %dma_start3A_165 = tpu.memref_slice %arg9[%mul3A_61, %dma_start3A_164] : memref<5128x128xf32, #tpu.memory_space<vmem_shared>> -> memref<320x128xf32, #tpu.memory_space<vmem_shared>>
      tpu.enqueue_dma source(%dma_start3A_165 : memref<320x128xf32, #tpu.memory_space<vmem_shared>>) target(%dma_start3A_163 : memref<320x128xf32, #tpu.memory_space<hbm>>) target_semaphore(%run_scoped3A : memref<!tpu.dma_semaphore, #tpu.memory_space<semaphore_mem>>)
      %dma_wait3A = arith.constant 0 : i32
      %dma_wait3A_166 = tpu.memref_slice %arg7[%add3A_68, %dma_wait3A] : memref<20480x128xf32, #tpu.memory_space<hbm>> -> memref<320x128xf32, #tpu.memory_space<hbm>>
      %dma_wait3A_167 = arith.constant 0 : i32
      %dma_wait3A_168 = tpu.memref_slice %arg9[%mul3A_61, %dma_wait3A_167] : memref<5128x128xf32, #tpu.memory_space<vmem_shared>> -> memref<320x128xf32, #tpu.memory_space<vmem_shared>>
      tpu.wait_dma2 semaphore(%run_scoped3A : memref<!tpu.dma_semaphore, #tpu.memory_space<semaphore_mem>>) src(%dma_wait3A_168 : memref<320x128xf32, #tpu.memory_space<vmem_shared>>) dst(%dma_wait3A_166 : memref<320x128xf32, #tpu.memory_space<hbm>>)
      tpu.yield
    }) : () -> ()
    %mul3A_69 = arith.constant 320 : i32
    %mul3A_70 = arith.muli %arg1, %mul3A_69 : i32
    %mul3A_71 = arith.constant 10240 : i32
    %mul3A_72 = arith.muli %arg0, %mul3A_71 : i32
    %add3A_73 = arith.constant 0 : i32
    %add3A_74 = arith.addi %mul3A_72, %add3A_73 : i32
    %mul3A_75 = arith.constant 320 : i32
    %mul3A_76 = arith.muli %arg1, %mul3A_75 : i32
    %add3A_77 = arith.addi %add3A_74, %mul3A_76 : i32
    "tpu.region"() ({
      %run_scoped3A = tpu.sem_alloc : memref<!tpu.dma_semaphore, #tpu.memory_space<semaphore_mem>>
      %dma_start3A_162 = arith.constant 0 : i32
      %dma_start3A_163 = tpu.memref_slice %arg8[%add3A_77, %dma_start3A_162] : memref<20480x128xf32, #tpu.memory_space<hbm>> -> memref<320x128xf32, #tpu.memory_space<hbm>>
      %dma_start3A_164 = arith.constant 0 : i32
      %dma_start3A_165 = tpu.memref_slice %arg10[%mul3A_70, %dma_start3A_164] : memref<5128x128xf32, #tpu.memory_space<vmem_shared>> -> memref<320x128xf32, #tpu.memory_space<vmem_shared>>
      tpu.enqueue_dma source(%dma_start3A_165 : memref<320x128xf32, #tpu.memory_space<vmem_shared>>) target(%dma_start3A_163 : memref<320x128xf32, #tpu.memory_space<hbm>>) target_semaphore(%run_scoped3A : memref<!tpu.dma_semaphore, #tpu.memory_space<semaphore_mem>>)
      %dma_wait3A = arith.constant 0 : i32
      %dma_wait3A_166 = tpu.memref_slice %arg8[%add3A_77, %dma_wait3A] : memref<20480x128xf32, #tpu.memory_space<hbm>> -> memref<320x128xf32, #tpu.memory_space<hbm>>
      %dma_wait3A_167 = arith.constant 0 : i32
      %dma_wait3A_168 = tpu.memref_slice %arg10[%mul3A_70, %dma_wait3A_167] : memref<5128x128xf32, #tpu.memory_space<vmem_shared>> -> memref<320x128xf32, #tpu.memory_space<vmem_shared>>
      tpu.wait_dma2 semaphore(%run_scoped3A : memref<!tpu.dma_semaphore, #tpu.memory_space<semaphore_mem>>) src(%dma_wait3A_168 : memref<320x128xf32, #tpu.memory_space<vmem_shared>>) dst(%dma_wait3A_166 : memref<320x128xf32, #tpu.memory_space<hbm>>)
      tpu.yield
    }) : () -> ()
    %mul3A_78 = arith.constant 320 : i32
    %mul3A_79 = arith.muli %arg1, %mul3A_78 : i32
    "tpu.region"() ({
      %run_scoped3A = tpu.sem_alloc : memref<!tpu.dma_semaphore, #tpu.memory_space<semaphore_mem>>
      %dma_start3A_162 = arith.constant 0 : i32
      %dma_start3A_163 = tpu.memref_slice %arg9[%mul3A_79, %dma_start3A_162] : memref<5128x128xf32, #tpu.memory_space<vmem_shared>> -> memref<320x128xf32, #tpu.memory_space<vmem_shared>>
      tpu.enqueue_dma source(%arg5 : memref<320x128xf32, #tpu.memory_space<hbm>>) target(%dma_start3A_163 : memref<320x128xf32, #tpu.memory_space<vmem_shared>>) target_semaphore(%run_scoped3A : memref<!tpu.dma_semaphore, #tpu.memory_space<semaphore_mem>>)
      %dma_wait3A = arith.constant 0 : i32
      %dma_wait3A_164 = tpu.memref_slice %arg9[%mul3A_79, %dma_wait3A] : memref<5128x128xf32, #tpu.memory_space<vmem_shared>> -> memref<320x128xf32, #tpu.memory_space<vmem_shared>>
      tpu.wait_dma2 semaphore(%run_scoped3A : memref<!tpu.dma_semaphore, #tpu.memory_space<semaphore_mem>>) src(%arg5 : memref<320x128xf32, #tpu.memory_space<hbm>>) dst(%dma_wait3A_164 : memref<320x128xf32, #tpu.memory_space<vmem_shared>>)
      tpu.yield
    }) : () -> ()
    %mul3A_80 = arith.constant 320 : i32
    %mul3A_81 = arith.muli %arg1, %mul3A_80 : i32
    "tpu.region"() ({
      %run_scoped3A = tpu.sem_alloc : memref<!tpu.dma_semaphore, #tpu.memory_space<semaphore_mem>>
      %dma_start3A_162 = arith.constant 0 : i32
      %dma_start3A_163 = tpu.memref_slice %arg10[%mul3A_81, %dma_start3A_162] : memref<5128x128xf32, #tpu.memory_space<vmem_shared>> -> memref<320x128xf32, #tpu.memory_space<vmem_shared>>
      tpu.enqueue_dma source(%arg5 : memref<320x128xf32, #tpu.memory_space<hbm>>) target(%dma_start3A_163 : memref<320x128xf32, #tpu.memory_space<vmem_shared>>) target_semaphore(%run_scoped3A : memref<!tpu.dma_semaphore, #tpu.memory_space<semaphore_mem>>)
      %dma_wait3A = arith.constant 0 : i32
      %dma_wait3A_164 = tpu.memref_slice %arg10[%mul3A_81, %dma_wait3A] : memref<5128x128xf32, #tpu.memory_space<vmem_shared>> -> memref<320x128xf32, #tpu.memory_space<vmem_shared>>
      tpu.wait_dma2 semaphore(%run_scoped3A : memref<!tpu.dma_semaphore, #tpu.memory_space<semaphore_mem>>) src(%arg5 : memref<320x128xf32, #tpu.memory_space<hbm>>) dst(%dma_wait3A_164 : memref<320x128xf32, #tpu.memory_space<vmem_shared>>)
      tpu.yield
    }) : () -> ()
    %barrier3A_82 = arith.constant 0 : index
    tpu.barrier barrier_id(%barrier3A_82)
    %mul3A_83 = arith.constant 250 : i32
    %mul3A_84 = arith.muli %arg1, %mul3A_83 : i32
    %mul3A_85 = arith.constant 80 : i32
    %mul3A_86 = arith.muli %mul3A_84, %mul3A_85 : i32
    %add3A_87 = arith.addi %mul3A_0, %mul3A_86 : i32
    "tpu.region"() ({
      %run_scoped3A = tpu.sem_alloc : memref<!tpu.dma_semaphore, #tpu.memory_space<semaphore_mem>>
      %dma_start3A_162 = tpu.memref_slice %arg3[%add3A_87] : memref<640000xi32, #tpu.memory_space<hbm>> -> memref<80xi32, #tpu.memory_space<hbm>>
      %dma_start3A_163 = tpu.memref_slice %arg3[%add3A_87] : memref<640000xi32, #tpu.memory_space<hbm>> -> memref<80xi32, #tpu.memory_space<hbm>>
      tpu.enqueue_dma source(%dma_start3A_163 : memref<80xi32, #tpu.memory_space<hbm>>) target(%arg11 : memref<80xi32, #tpu.memory_space<vmem>>) target_semaphore(%run_scoped3A : memref<!tpu.dma_semaphore, #tpu.memory_space<semaphore_mem>>)
      %dma_wait3A = tpu.memref_slice %arg3[%add3A_87] : memref<640000xi32, #tpu.memory_space<hbm>> -> memref<80xi32, #tpu.memory_space<hbm>>
      %dma_wait3A_164 = tpu.memref_slice %arg3[%add3A_87] : memref<640000xi32, #tpu.memory_space<hbm>> -> memref<80xi32, #tpu.memory_space<hbm>>
      tpu.wait_dma2 semaphore(%run_scoped3A : memref<!tpu.dma_semaphore, #tpu.memory_space<semaphore_mem>>) src(%dma_wait3A_164 : memref<80xi32, #tpu.memory_space<hbm>>) dst(%arg11 : memref<80xi32, #tpu.memory_space<vmem>>)
      tpu.yield
    }) : () -> ()
    "tpu.region"() ({
      %run_scoped3A = tpu.sem_alloc : memref<!tpu.dma_semaphore, #tpu.memory_space<semaphore_mem>>
      %dma_start3A_162 = tpu.memref_slice %arg4[%add3A_87] : memref<640000xi32, #tpu.memory_space<hbm>> -> memref<80xi32, #tpu.memory_space<hbm>>
      %dma_start3A_163 = tpu.memref_slice %arg4[%add3A_87] : memref<640000xi32, #tpu.memory_space<hbm>> -> memref<80xi32, #tpu.memory_space<hbm>>
      tpu.enqueue_dma source(%dma_start3A_163 : memref<80xi32, #tpu.memory_space<hbm>>) target(%arg12 : memref<80xi32, #tpu.memory_space<vmem>>) target_semaphore(%run_scoped3A : memref<!tpu.dma_semaphore, #tpu.memory_space<semaphore_mem>>)
      %dma_wait3A = tpu.memref_slice %arg4[%add3A_87] : memref<640000xi32, #tpu.memory_space<hbm>> -> memref<80xi32, #tpu.memory_space<hbm>>
      %dma_wait3A_164 = tpu.memref_slice %arg4[%add3A_87] : memref<640000xi32, #tpu.memory_space<hbm>> -> memref<80xi32, #tpu.memory_space<hbm>>
      tpu.wait_dma2 semaphore(%run_scoped3A : memref<!tpu.dma_semaphore, #tpu.memory_space<semaphore_mem>>) src(%dma_wait3A_164 : memref<80xi32, #tpu.memory_space<hbm>>) dst(%arg12 : memref<80xi32, #tpu.memory_space<vmem>>)
      tpu.yield
    }) : () -> ()
    %get3A_88 = arith.constant 0 : index
    %get3A_89 = tpu.vector_load %arg11[%get3A_88] {strides = array<i32>} : memref<80xi32, #tpu.memory_space<vmem>>, vector<16xi32>,
    %get3A_90 = vector.shape_cast %get3A_89 : vector<16xi32> to vector<16xi32>
    %add3A_91 = arith.addi %get3A_90, %broadcast_in_dim3A : vector<16xi32>
    %swap3A_92 = arith.constant 0 : index
    %swap3A_93 = tpu.vector_load %arg11[%swap3A_92] {strides = array<i32>} : memref<80xi32, #tpu.memory_space<vmem>>, vector<16xi32>,
    %swap3A_94 = vector.shape_cast %swap3A_93 : vector<16xi32> to vector<16xi32>
    %swap3A_95 = vector.shape_cast %add3A_91 : vector<16xi32> to vector<16xi32>
    tpu.vector_store %arg11[%swap3A_92], %swap3A_95 {strides = array<i32>} : memref<80xi32, #tpu.memory_space<vmem>>, vector<16xi32>,
    %get3A_96 = arith.constant 16 : index
    %get3A_97 = tpu.vector_load %arg11[%get3A_96] {strides = array<i32>} : memref<80xi32, #tpu.memory_space<vmem>>, vector<16xi32>,
    %get3A_98 = vector.shape_cast %get3A_97 : vector<16xi32> to vector<16xi32>
    %add3A_99 = arith.addi %get3A_98, %broadcast_in_dim3A : vector<16xi32>
    %swap3A_100 = arith.constant 16 : index
    %swap3A_101 = tpu.vector_load %arg11[%swap3A_100] {strides = array<i32>} : memref<80xi32, #tpu.memory_space<vmem>>, vector<16xi32>,
    %swap3A_102 = vector.shape_cast %swap3A_101 : vector<16xi32> to vector<16xi32>
    %swap3A_103 = vector.shape_cast %add3A_99 : vector<16xi32> to vector<16xi32>
    tpu.vector_store %arg11[%swap3A_100], %swap3A_103 {strides = array<i32>} : memref<80xi32, #tpu.memory_space<vmem>>, vector<16xi32>,
    %get3A_104 = arith.constant 32 : index
    %get3A_105 = tpu.vector_load %arg11[%get3A_104] {strides = array<i32>} : memref<80xi32, #tpu.memory_space<vmem>>, vector<16xi32>,
    %get3A_106 = vector.shape_cast %get3A_105 : vector<16xi32> to vector<16xi32>
    %add3A_107 = arith.addi %get3A_106, %broadcast_in_dim3A : vector<16xi32>
    %swap3A_108 = arith.constant 32 : index
    %swap3A_109 = tpu.vector_load %arg11[%swap3A_108] {strides = array<i32>} : memref<80xi32, #tpu.memory_space<vmem>>, vector<16xi32>,
    %swap3A_110 = vector.shape_cast %swap3A_109 : vector<16xi32> to vector<16xi32>
    %swap3A_111 = vector.shape_cast %add3A_107 : vector<16xi32> to vector<16xi32>
    tpu.vector_store %arg11[%swap3A_108], %swap3A_111 {strides = array<i32>} : memref<80xi32, #tpu.memory_space<vmem>>, vector<16xi32>,
    %get3A_112 = arith.constant 48 : index
    %get3A_113 = tpu.vector_load %arg11[%get3A_112] {strides = array<i32>} : memref<80xi32, #tpu.memory_space<vmem>>, vector<16xi32>,
    %get3A_114 = vector.shape_cast %get3A_113 : vector<16xi32> to vector<16xi32>
    %add3A_115 = arith.addi %get3A_114, %broadcast_in_dim3A : vector<16xi32>
    %swap3A_116 = arith.constant 48 : index
    %swap3A_117 = tpu.vector_load %arg11[%swap3A_116] {strides = array<i32>} : memref<80xi32, #tpu.memory_space<vmem>>, vector<16xi32>,
    %swap3A_118 = vector.shape_cast %swap3A_117 : vector<16xi32> to vector<16xi32>
    %swap3A_119 = vector.shape_cast %add3A_115 : vector<16xi32> to vector<16xi32>
    tpu.vector_store %arg11[%swap3A_116], %swap3A_119 {strides = array<i32>} : memref<80xi32, #tpu.memory_space<vmem>>, vector<16xi32>,
    %get3A_120 = arith.constant 64 : index
    %get3A_121 = tpu.vector_load %arg11[%get3A_120] {strides = array<i32>} : memref<80xi32, #tpu.memory_space<vmem>>, vector<16xi32>,
    %get3A_122 = vector.shape_cast %get3A_121 : vector<16xi32> to vector<16xi32>
    %add3A_123 = arith.addi %get3A_122, %broadcast_in_dim3A : vector<16xi32>
    %swap3A_124 = arith.constant 64 : index
    %swap3A_125 = tpu.vector_load %arg11[%swap3A_124] {strides = array<i32>} : memref<80xi32, #tpu.memory_space<vmem>>, vector<16xi32>,
    %swap3A_126 = vector.shape_cast %swap3A_125 : vector<16xi32> to vector<16xi32>
    %swap3A_127 = vector.shape_cast %add3A_123 : vector<16xi32> to vector<16xi32>
    tpu.vector_store %arg11[%swap3A_124], %swap3A_127 {strides = array<i32>} : memref<80xi32, #tpu.memory_space<vmem>>, vector<16xi32>,
    %dma_start3A_128 = arith.constant 0 : i32
    %dma_start3A_129 = arith.constant 0 : i32
    %dma_start3A_130 = tpu.memref_slice %arg2[%dma_start3A_128, %dma_start3A_129] : memref<20000x128xf32, #tpu.memory_space<hbm>> -> memref<20000x128xf32, #tpu.memory_space<hbm>>
    tpu.enqueue_indirect_dma source(%dma_start3A_130 : memref<20000x128xf32, #tpu.memory_space<hbm>>) target(%arg13 : memref<80x128xf32, #tpu.memory_space<vmem>>) offsets(%arg11 : memref<80xi32, #tpu.memory_space<vmem>>) semaphore(%arg18 : memref<!tpu.dma_semaphore, #tpu.memory_space<semaphore_mem>>)
    %scan3A_131 = arith.constant 0 : i32
    %scan3A_132 = arith.constant 0 : i32
    %scan3A_133 = arith.constant 125 : i32
    %scan3A_134 = arith.addi %scan3A_132, %scan3A_133 : i32
    %scan3A_135 = arith.constant 1 : i32
    %scan3A_136 = scf.for %scan3A_162 = %scan3A_132 to %scan3A_134 step %scan3A_135 iter_args(%scan3A_163 = %scan3A_131) -> (i32)  : i32 {
      %mul3A_164 = arith.constant 2 : i32
      %mul3A_165 = arith.muli %mul3A_164, %scan3A_162 : i32
      %add3A_166 = arith.addi %mul3A_84, %mul3A_165 : i32
      %add3A_167 = arith.constant 1 : i32
      %add3A_168 = arith.addi %add3A_166, %add3A_167 : i32
      %mul3A_169 = arith.constant 80 : i32
      %mul3A_170 = arith.muli %add3A_168, %mul3A_169 : i32
      %add3A_171 = arith.addi %mul3A_0, %mul3A_170 : i32
      "tpu.region"() ({
        %run_scoped3A = tpu.sem_alloc : memref<!tpu.dma_semaphore, #tpu.memory_space<semaphore_mem>>
        %dma_start3A_385 = tpu.memref_slice %arg3[%add3A_171] : memref<640000xi32, #tpu.memory_space<hbm>> -> memref<80xi32, #tpu.memory_space<hbm>>
        %dma_start3A_386 = tpu.memref_slice %arg3[%add3A_171] : memref<640000xi32, #tpu.memory_space<hbm>> -> memref<80xi32, #tpu.memory_space<hbm>>
        tpu.enqueue_dma source(%dma_start3A_386 : memref<80xi32, #tpu.memory_space<hbm>>) target(%arg14 : memref<80xi32, #tpu.memory_space<vmem>>) target_semaphore(%run_scoped3A : memref<!tpu.dma_semaphore, #tpu.memory_space<semaphore_mem>>)
        %dma_wait3A_387 = tpu.memref_slice %arg3[%add3A_171] : memref<640000xi32, #tpu.memory_space<hbm>> -> memref<80xi32, #tpu.memory_space<hbm>>
        %dma_wait3A_388 = tpu.memref_slice %arg3[%add3A_171] : memref<640000xi32, #tpu.memory_space<hbm>> -> memref<80xi32, #tpu.memory_space<hbm>>
        tpu.wait_dma2 semaphore(%run_scoped3A : memref<!tpu.dma_semaphore, #tpu.memory_space<semaphore_mem>>) src(%dma_wait3A_388 : memref<80xi32, #tpu.memory_space<hbm>>) dst(%arg14 : memref<80xi32, #tpu.memory_space<vmem>>)
        tpu.yield
      }) : () -> ()
      "tpu.region"() ({
        %run_scoped3A = tpu.sem_alloc : memref<!tpu.dma_semaphore, #tpu.memory_space<semaphore_mem>>
        %dma_start3A_385 = tpu.memref_slice %arg4[%add3A_171] : memref<640000xi32, #tpu.memory_space<hbm>> -> memref<80xi32, #tpu.memory_space<hbm>>
        %dma_start3A_386 = tpu.memref_slice %arg4[%add3A_171] : memref<640000xi32, #tpu.memory_space<hbm>> -> memref<80xi32, #tpu.memory_space<hbm>>
        tpu.enqueue_dma source(%dma_start3A_386 : memref<80xi32, #tpu.memory_space<hbm>>) target(%arg15 : memref<80xi32, #tpu.memory_space<vmem>>) target_semaphore(%run_scoped3A : memref<!tpu.dma_semaphore, #tpu.memory_space<semaphore_mem>>)
        %dma_wait3A_387 = tpu.memref_slice %arg4[%add3A_171] : memref<640000xi32, #tpu.memory_space<hbm>> -> memref<80xi32, #tpu.memory_space<hbm>>
        %dma_wait3A_388 = tpu.memref_slice %arg4[%add3A_171] : memref<640000xi32, #tpu.memory_space<hbm>> -> memref<80xi32, #tpu.memory_space<hbm>>
        tpu.wait_dma2 semaphore(%run_scoped3A : memref<!tpu.dma_semaphore, #tpu.memory_space<semaphore_mem>>) src(%dma_wait3A_388 : memref<80xi32, #tpu.memory_space<hbm>>) dst(%arg15 : memref<80xi32, #tpu.memory_space<vmem>>)
        tpu.yield
      }) : () -> ()
      %get3A_172 = arith.constant 0 : index
      %get3A_173 = tpu.vector_load %arg14[%get3A_172] {strides = array<i32>} : memref<80xi32, #tpu.memory_space<vmem>>, vector<16xi32>,
      %get3A_174 = vector.shape_cast %get3A_173 : vector<16xi32> to vector<16xi32>
      %add3A_175 = arith.addi %get3A_174, %broadcast_in_dim3A : vector<16xi32>
      %swap3A_176 = arith.constant 0 : index
      %swap3A_177 = tpu.vector_load %arg14[%swap3A_176] {strides = array<i32>} : memref<80xi32, #tpu.memory_space<vmem>>, vector<16xi32>,
      %swap3A_178 = vector.shape_cast %swap3A_177 : vector<16xi32> to vector<16xi32>
      %swap3A_179 = vector.shape_cast %add3A_175 : vector<16xi32> to vector<16xi32>
      tpu.vector_store %arg14[%swap3A_176], %swap3A_179 {strides = array<i32>} : memref<80xi32, #tpu.memory_space<vmem>>, vector<16xi32>,
      %get3A_180 = arith.constant 16 : index
      %get3A_181 = tpu.vector_load %arg14[%get3A_180] {strides = array<i32>} : memref<80xi32, #tpu.memory_space<vmem>>, vector<16xi32>,
      %get3A_182 = vector.shape_cast %get3A_181 : vector<16xi32> to vector<16xi32>
      %add3A_183 = arith.addi %get3A_182, %broadcast_in_dim3A : vector<16xi32>
      %swap3A_184 = arith.constant 16 : index
      %swap3A_185 = tpu.vector_load %arg14[%swap3A_184] {strides = array<i32>} : memref<80xi32, #tpu.memory_space<vmem>>, vector<16xi32>,
      %swap3A_186 = vector.shape_cast %swap3A_185 : vector<16xi32> to vector<16xi32>
      %swap3A_187 = vector.shape_cast %add3A_183 : vector<16xi32> to vector<16xi32>
      tpu.vector_store %arg14[%swap3A_184], %swap3A_187 {strides = array<i32>} : memref<80xi32, #tpu.memory_space<vmem>>, vector<16xi32>,
      %get3A_188 = arith.constant 32 : index
      %get3A_189 = tpu.vector_load %arg14[%get3A_188] {strides = array<i32>} : memref<80xi32, #tpu.memory_space<vmem>>, vector<16xi32>,
      %get3A_190 = vector.shape_cast %get3A_189 : vector<16xi32> to vector<16xi32>
      %add3A_191 = arith.addi %get3A_190, %broadcast_in_dim3A : vector<16xi32>
      %swap3A_192 = arith.constant 32 : index
      %swap3A_193 = tpu.vector_load %arg14[%swap3A_192] {strides = array<i32>} : memref<80xi32, #tpu.memory_space<vmem>>, vector<16xi32>,
      %swap3A_194 = vector.shape_cast %swap3A_193 : vector<16xi32> to vector<16xi32>
      %swap3A_195 = vector.shape_cast %add3A_191 : vector<16xi32> to vector<16xi32>
      tpu.vector_store %arg14[%swap3A_192], %swap3A_195 {strides = array<i32>} : memref<80xi32, #tpu.memory_space<vmem>>, vector<16xi32>,
      %get3A_196 = arith.constant 48 : index
      %get3A_197 = tpu.vector_load %arg14[%get3A_196] {strides = array<i32>} : memref<80xi32, #tpu.memory_space<vmem>>, vector<16xi32>,
      %get3A_198 = vector.shape_cast %get3A_197 : vector<16xi32> to vector<16xi32>
      %add3A_199 = arith.addi %get3A_198, %broadcast_in_dim3A : vector<16xi32>
      %swap3A_200 = arith.constant 48 : index
      %swap3A_201 = tpu.vector_load %arg14[%swap3A_200] {strides = array<i32>} : memref<80xi32, #tpu.memory_space<vmem>>, vector<16xi32>,
      %swap3A_202 = vector.shape_cast %swap3A_201 : vector<16xi32> to vector<16xi32>
      %swap3A_203 = vector.shape_cast %add3A_199 : vector<16xi32> to vector<16xi32>
      tpu.vector_store %arg14[%swap3A_200], %swap3A_203 {strides = array<i32>} : memref<80xi32, #tpu.memory_space<vmem>>, vector<16xi32>,
      %get3A_204 = arith.constant 64 : index
      %get3A_205 = tpu.vector_load %arg14[%get3A_204] {strides = array<i32>} : memref<80xi32, #tpu.memory_space<vmem>>, vector<16xi32>,
      %get3A_206 = vector.shape_cast %get3A_205 : vector<16xi32> to vector<16xi32>
      %add3A_207 = arith.addi %get3A_206, %broadcast_in_dim3A : vector<16xi32>
      %swap3A_208 = arith.constant 64 : index
      %swap3A_209 = tpu.vector_load %arg14[%swap3A_208] {strides = array<i32>} : memref<80xi32, #tpu.memory_space<vmem>>, vector<16xi32>,
      %swap3A_210 = vector.shape_cast %swap3A_209 : vector<16xi32> to vector<16xi32>
      %swap3A_211 = vector.shape_cast %add3A_207 : vector<16xi32> to vector<16xi32>
      tpu.vector_store %arg14[%swap3A_208], %swap3A_211 {strides = array<i32>} : memref<80xi32, #tpu.memory_space<vmem>>, vector<16xi32>,
      %dma_start3A_212 = arith.constant 0 : i32
      %dma_start3A_213 = arith.constant 0 : i32
      %dma_start3A_214 = tpu.memref_slice %arg2[%dma_start3A_212, %dma_start3A_213] : memref<20000x128xf32, #tpu.memory_space<hbm>> -> memref<20000x128xf32, #tpu.memory_space<hbm>>
      tpu.enqueue_indirect_dma source(%dma_start3A_214 : memref<20000x128xf32, #tpu.memory_space<hbm>>) target(%arg16 : memref<80x128xf32, #tpu.memory_space<vmem>>) offsets(%arg14 : memref<80xi32, #tpu.memory_space<vmem>>) semaphore(%arg19 : memref<!tpu.dma_semaphore, #tpu.memory_space<semaphore_mem>>)
      %dma_wait3A = arith.constant 0 : i32
      %dma_wait3A_215 = arith.constant 0 : i32
      %dma_wait3A_216 = tpu.memref_slice %arg2[%dma_wait3A, %dma_wait3A_215] : memref<20000x128xf32, #tpu.memory_space<hbm>> -> memref<20000x128xf32, #tpu.memory_space<hbm>>
      tpu.wait_indirect_dma semaphore(%arg18 : memref<!tpu.dma_semaphore, #tpu.memory_space<semaphore_mem>>) src(%dma_wait3A_216 : memref<20000x128xf32, #tpu.memory_space<hbm>>) dst(%arg13 : memref<80x128xf32, #tpu.memory_space<vmem>>)
      %get3A_217 = arith.constant 0 : index
      %get3A_218 = tpu.vector_load %arg12[%get3A_217] {strides = array<i32>} : memref<80xi32, #tpu.memory_space<vmem>>, vector<16xi32>,
      %get3A_219 = vector.shape_cast %get3A_218 : vector<16xi32> to vector<16xi32>
      %sub3A = arith.constant 5120 : i32
      %sub3A_220 = vector.broadcast %sub3A : i32 to vector<16xi32>
      %sub3A_221 = arith.subi %get3A_219, %sub3A_220 : vector<16xi32>
      %ge3A = arith.constant 0 : i32
      %ge3A_222 = vector.broadcast %ge3A : i32 to vector<16xi32>
      %ge3A_223 = arith.cmpi sge, %sub3A_221, %ge3A_222 : vector<16xi32>
      %jit3A = arith.constant 5120 : i32
      %broadcast_in_dim3A_224 = vector.broadcast %jit3A : i32 to vector<16xi32>
      %select_n3A = arith.select %ge3A_223, %sub3A_221, %broadcast_in_dim3A_224 : vector<16xi1>, vector<16xi32>
      %swap3A_225 = arith.constant 0 : index
      %swap3A_226 = tpu.vector_load %arg12[%swap3A_225] {strides = array<i32>} : memref<80xi32, #tpu.memory_space<vmem>>, vector<16xi32>,
      %swap3A_227 = vector.shape_cast %swap3A_226 : vector<16xi32> to vector<16xi32>
      %swap3A_228 = vector.shape_cast %select_n3A : vector<16xi32> to vector<16xi32>
      tpu.vector_store %arg12[%swap3A_225], %swap3A_228 {strides = array<i32>} : memref<80xi32, #tpu.memory_space<vmem>>, vector<16xi32>,
      %get3A_229 = arith.constant 16 : index
      %get3A_230 = tpu.vector_load %arg12[%get3A_229] {strides = array<i32>} : memref<80xi32, #tpu.memory_space<vmem>>, vector<16xi32>,
      %get3A_231 = vector.shape_cast %get3A_230 : vector<16xi32> to vector<16xi32>
      %sub3A_232 = arith.constant 5120 : i32
      %sub3A_233 = vector.broadcast %sub3A_232 : i32 to vector<16xi32>
      %sub3A_234 = arith.subi %get3A_231, %sub3A_233 : vector<16xi32>
      %ge3A_235 = arith.constant 0 : i32
      %ge3A_236 = vector.broadcast %ge3A_235 : i32 to vector<16xi32>
      %ge3A_237 = arith.cmpi sge, %sub3A_234, %ge3A_236 : vector<16xi32>
      %jit3A_238 = arith.constant 5120 : i32
      %broadcast_in_dim3A_239 = vector.broadcast %jit3A_238 : i32 to vector<16xi32>
      %select_n3A_240 = arith.select %ge3A_237, %sub3A_234, %broadcast_in_dim3A_239 : vector<16xi1>, vector<16xi32>
      %swap3A_241 = arith.constant 16 : index
      %swap3A_242 = tpu.vector_load %arg12[%swap3A_241] {strides = array<i32>} : memref<80xi32, #tpu.memory_space<vmem>>, vector<16xi32>,
      %swap3A_243 = vector.shape_cast %swap3A_242 : vector<16xi32> to vector<16xi32>
      %swap3A_244 = vector.shape_cast %select_n3A_240 : vector<16xi32> to vector<16xi32>
      tpu.vector_store %arg12[%swap3A_241], %swap3A_244 {strides = array<i32>} : memref<80xi32, #tpu.memory_space<vmem>>, vector<16xi32>,
      %get3A_245 = arith.constant 32 : index
      %get3A_246 = tpu.vector_load %arg12[%get3A_245] {strides = array<i32>} : memref<80xi32, #tpu.memory_space<vmem>>, vector<16xi32>,
      %get3A_247 = vector.shape_cast %get3A_246 : vector<16xi32> to vector<16xi32>
      %sub3A_248 = arith.constant 5120 : i32
      %sub3A_249 = vector.broadcast %sub3A_248 : i32 to vector<16xi32>
      %sub3A_250 = arith.subi %get3A_247, %sub3A_249 : vector<16xi32>
      %ge3A_251 = arith.constant 0 : i32
      %ge3A_252 = vector.broadcast %ge3A_251 : i32 to vector<16xi32>
      %ge3A_253 = arith.cmpi sge, %sub3A_250, %ge3A_252 : vector<16xi32>
      %jit3A_254 = arith.constant 5120 : i32
      %broadcast_in_dim3A_255 = vector.broadcast %jit3A_254 : i32 to vector<16xi32>
      %select_n3A_256 = arith.select %ge3A_253, %sub3A_250, %broadcast_in_dim3A_255 : vector<16xi1>, vector<16xi32>
      %swap3A_257 = arith.constant 32 : index
      %swap3A_258 = tpu.vector_load %arg12[%swap3A_257] {strides = array<i32>} : memref<80xi32, #tpu.memory_space<vmem>>, vector<16xi32>,
      %swap3A_259 = vector.shape_cast %swap3A_258 : vector<16xi32> to vector<16xi32>
      %swap3A_260 = vector.shape_cast %select_n3A_256 : vector<16xi32> to vector<16xi32>
      tpu.vector_store %arg12[%swap3A_257], %swap3A_260 {strides = array<i32>} : memref<80xi32, #tpu.memory_space<vmem>>, vector<16xi32>,
      %get3A_261 = arith.constant 48 : index
      %get3A_262 = tpu.vector_load %arg12[%get3A_261] {strides = array<i32>} : memref<80xi32, #tpu.memory_space<vmem>>, vector<16xi32>,
      %get3A_263 = vector.shape_cast %get3A_262 : vector<16xi32> to vector<16xi32>
      %sub3A_264 = arith.constant 5120 : i32
      %sub3A_265 = vector.broadcast %sub3A_264 : i32 to vector<16xi32>
      %sub3A_266 = arith.subi %get3A_263, %sub3A_265 : vector<16xi32>
      %ge3A_267 = arith.constant 0 : i32
      %ge3A_268 = vector.broadcast %ge3A_267 : i32 to vector<16xi32>
      %ge3A_269 = arith.cmpi sge, %sub3A_266, %ge3A_268 : vector<16xi32>
      %jit3A_270 = arith.constant 5120 : i32
      %broadcast_in_dim3A_271 = vector.broadcast %jit3A_270 : i32 to vector<16xi32>
      %select_n3A_272 = arith.select %ge3A_269, %sub3A_266, %broadcast_in_dim3A_271 : vector<16xi1>, vector<16xi32>
      %swap3A_273 = arith.constant 48 : index
      %swap3A_274 = tpu.vector_load %arg12[%swap3A_273] {strides = array<i32>} : memref<80xi32, #tpu.memory_space<vmem>>, vector<16xi32>,
      %swap3A_275 = vector.shape_cast %swap3A_274 : vector<16xi32> to vector<16xi32>
      %swap3A_276 = vector.shape_cast %select_n3A_272 : vector<16xi32> to vector<16xi32>
      tpu.vector_store %arg12[%swap3A_273], %swap3A_276 {strides = array<i32>} : memref<80xi32, #tpu.memory_space<vmem>>, vector<16xi32>,
      %get3A_277 = arith.constant 64 : index
      %get3A_278 = tpu.vector_load %arg12[%get3A_277] {strides = array<i32>} : memref<80xi32, #tpu.memory_space<vmem>>, vector<16xi32>,
      %get3A_279 = vector.shape_cast %get3A_278 : vector<16xi32> to vector<16xi32>
      %sub3A_280 = arith.constant 5120 : i32
      %sub3A_281 = vector.broadcast %sub3A_280 : i32 to vector<16xi32>
      %sub3A_282 = arith.subi %get3A_279, %sub3A_281 : vector<16xi32>
      %ge3A_283 = arith.constant 0 : i32
      %ge3A_284 = vector.broadcast %ge3A_283 : i32 to vector<16xi32>
      %ge3A_285 = arith.cmpi sge, %sub3A_282, %ge3A_284 : vector<16xi32>
      %jit3A_286 = arith.constant 5120 : i32
      %broadcast_in_dim3A_287 = vector.broadcast %jit3A_286 : i32 to vector<16xi32>
      %select_n3A_288 = arith.select %ge3A_285, %sub3A_282, %broadcast_in_dim3A_287 : vector<16xi1>, vector<16xi32>
      %swap3A_289 = arith.constant 64 : index
      %swap3A_290 = tpu.vector_load %arg12[%swap3A_289] {strides = array<i32>} : memref<80xi32, #tpu.memory_space<vmem>>, vector<16xi32>,
      %swap3A_291 = vector.shape_cast %swap3A_290 : vector<16xi32> to vector<16xi32>
      %swap3A_292 = vector.shape_cast %select_n3A_288 : vector<16xi32> to vector<16xi32>
      tpu.vector_store %arg12[%swap3A_289], %swap3A_292 {strides = array<i32>} : memref<80xi32, #tpu.memory_space<vmem>>, vector<16xi32>,
      "tpu.region"() ({
        %run_scoped3A = tpu.sem_alloc : memref<!tpu.dma_semaphore, #tpu.memory_space<semaphore_mem>>
        %dma_start3A_385 = arith.constant 0 : i32
        %dma_start3A_386 = arith.constant 0 : i32
        %dma_start3A_387 = tpu.memref_slice %arg9[%dma_start3A_385, %dma_start3A_386] : memref<5128x128xf32, #tpu.memory_space<vmem_shared>> -> memref<5128x128xf32, #tpu.memory_space<vmem_shared>>
        tpu.enqueue_indirect_dma source(%arg13 : memref<80x128xf32, #tpu.memory_space<vmem>>) target(%dma_start3A_387 : memref<5128x128xf32, #tpu.memory_space<vmem_shared>>) offsets(%arg12 : memref<80xi32, #tpu.memory_space<vmem>>) semaphore(%run_scoped3A : memref<!tpu.dma_semaphore, #tpu.memory_space<semaphore_mem>>) {add = true}
        %dma_wait3A_388 = arith.constant 0 : i32
        %dma_wait3A_389 = arith.constant 0 : i32
        %dma_wait3A_390 = tpu.memref_slice %arg9[%dma_wait3A_388, %dma_wait3A_389] : memref<5128x128xf32, #tpu.memory_space<vmem_shared>> -> memref<5128x128xf32, #tpu.memory_space<vmem_shared>>
        tpu.wait_indirect_dma semaphore(%run_scoped3A : memref<!tpu.dma_semaphore, #tpu.memory_space<semaphore_mem>>) src(%arg13 : memref<80x128xf32, #tpu.memory_space<vmem>>) dst(%dma_wait3A_390 : memref<5128x128xf32, #tpu.memory_space<vmem_shared>>)
        tpu.yield
      }) : () -> ()
      "tpu.region"() ({
        %run_scoped3A = tpu.sem_alloc : memref<!tpu.dma_semaphore, #tpu.memory_space<semaphore_mem>>
        %dma_start3A_385 = arith.constant 0 : i32
        %dma_start3A_386 = arith.constant 0 : i32
        %dma_start3A_387 = tpu.memref_slice %arg10[%dma_start3A_385, %dma_start3A_386] : memref<5128x128xf32, #tpu.memory_space<vmem_shared>> -> memref<5128x128xf32, #tpu.memory_space<vmem_shared>>
        tpu.enqueue_indirect_dma source(%arg17 : memref<80x128xf32, #tpu.memory_space<vmem>>) target(%dma_start3A_387 : memref<5128x128xf32, #tpu.memory_space<vmem_shared>>) offsets(%arg12 : memref<80xi32, #tpu.memory_space<vmem>>) semaphore(%run_scoped3A : memref<!tpu.dma_semaphore, #tpu.memory_space<semaphore_mem>>) {add = true}
        %dma_wait3A_388 = arith.constant 0 : i32
        %dma_wait3A_389 = arith.constant 0 : i32
        %dma_wait3A_390 = tpu.memref_slice %arg10[%dma_wait3A_388, %dma_wait3A_389] : memref<5128x128xf32, #tpu.memory_space<vmem_shared>> -> memref<5128x128xf32, #tpu.memory_space<vmem_shared>>
        tpu.wait_indirect_dma semaphore(%run_scoped3A : memref<!tpu.dma_semaphore, #tpu.memory_space<semaphore_mem>>) src(%arg17 : memref<80x128xf32, #tpu.memory_space<vmem>>) dst(%dma_wait3A_390 : memref<5128x128xf32, #tpu.memory_space<vmem_shared>>)
        tpu.yield
      }) : () -> ()
      %add3A_293 = arith.constant 2 : i32
      %add3A_294 = arith.addi %add3A_166, %add3A_293 : i32
      %add3A_295 = arith.constant 250 : i32
      %add3A_296 = arith.addi %mul3A_84, %add3A_295 : i32
      %lt3A_297 = arith.cmpi slt, %add3A_294, %add3A_296 : i32
      %convert_element_type3A_298 = arith.extui %lt3A_297 : i1 to i32
      %cond3A_299 = arith.constant 0 : i32
      %cond3A_300 = arith.cmpi ne, %convert_element_type3A_298, %cond3A_299 : i32
      scf.if %cond3A_300 {
        %add3A_385 = arith.constant 2 : i32
        %add3A_386 = arith.addi %add3A_166, %add3A_385 : i32
        %mul3A_387 = arith.constant 80 : i32
        %mul3A_388 = arith.muli %add3A_386, %mul3A_387 : i32
        %add3A_389 = arith.addi %mul3A_0, %mul3A_388 : i32
        "tpu.region"() ({
          %run_scoped3A = tpu.sem_alloc : memref<!tpu.dma_semaphore, #tpu.memory_space<semaphore_mem>>
          %dma_start3A_433 = tpu.memref_slice %arg3[%add3A_389] : memref<640000xi32, #tpu.memory_space<hbm>> -> memref<80xi32, #tpu.memory_space<hbm>>
          %dma_start3A_434 = tpu.memref_slice %arg3[%add3A_389] : memref<640000xi32, #tpu.memory_space<hbm>> -> memref<80xi32, #tpu.memory_space<hbm>>
          tpu.enqueue_dma source(%dma_start3A_434 : memref<80xi32, #tpu.memory_space<hbm>>) target(%arg11 : memref<80xi32, #tpu.memory_space<vmem>>) target_semaphore(%run_scoped3A : memref<!tpu.dma_semaphore, #tpu.memory_space<semaphore_mem>>)
          %dma_wait3A_435 = tpu.memref_slice %arg3[%add3A_389] : memref<640000xi32, #tpu.memory_space<hbm>> -> memref<80xi32, #tpu.memory_space<hbm>>
          %dma_wait3A_436 = tpu.memref_slice %arg3[%add3A_389] : memref<640000xi32, #tpu.memory_space<hbm>> -> memref<80xi32, #tpu.memory_space<hbm>>
          tpu.wait_dma2 semaphore(%run_scoped3A : memref<!tpu.dma_semaphore, #tpu.memory_space<semaphore_mem>>) src(%dma_wait3A_436 : memref<80xi32, #tpu.memory_space<hbm>>) dst(%arg11 : memref<80xi32, #tpu.memory_space<vmem>>)
          tpu.yield
        }) : () -> ()
        "tpu.region"() ({
          %run_scoped3A = tpu.sem_alloc : memref<!tpu.dma_semaphore, #tpu.memory_space<semaphore_mem>>
          %dma_start3A_433 = tpu.memref_slice %arg4[%add3A_389] : memref<640000xi32, #tpu.memory_space<hbm>> -> memref<80xi32, #tpu.memory_space<hbm>>
          %dma_start3A_434 = tpu.memref_slice %arg4[%add3A_389] : memref<640000xi32, #tpu.memory_space<hbm>> -> memref<80xi32, #tpu.memory_space<hbm>>
          tpu.enqueue_dma source(%dma_start3A_434 : memref<80xi32, #tpu.memory_space<hbm>>) target(%arg12 : memref<80xi32, #tpu.memory_space<vmem>>) target_semaphore(%run_scoped3A : memref<!tpu.dma_semaphore, #tpu.memory_space<semaphore_mem>>)
          %dma_wait3A_435 = tpu.memref_slice %arg4[%add3A_389] : memref<640000xi32, #tpu.memory_space<hbm>> -> memref<80xi32, #tpu.memory_space<hbm>>
          %dma_wait3A_436 = tpu.memref_slice %arg4[%add3A_389] : memref<640000xi32, #tpu.memory_space<hbm>> -> memref<80xi32, #tpu.memory_space<hbm>>
          tpu.wait_dma2 semaphore(%run_scoped3A : memref<!tpu.dma_semaphore, #tpu.memory_space<semaphore_mem>>) src(%dma_wait3A_436 : memref<80xi32, #tpu.memory_space<hbm>>) dst(%arg12 : memref<80xi32, #tpu.memory_space<vmem>>)
          tpu.yield
        }) : () -> ()
        %get3A_390 = arith.constant 0 : index
        %get3A_391 = tpu.vector_load %arg11[%get3A_390] {strides = array<i32>} : memref<80xi32, #tpu.memory_space<vmem>>, vector<16xi32>,
        %get3A_392 = vector.shape_cast %get3A_391 : vector<16xi32> to vector<16xi32>
        %add3A_393 = arith.addi %get3A_392, %broadcast_in_dim3A : vector<16xi32>
        %swap3A_394 = arith.constant 0 : index
        %swap3A_395 = tpu.vector_load %arg11[%swap3A_394] {strides = array<i32>} : memref<80xi32, #tpu.memory_space<vmem>>, vector<16xi32>,
        %swap3A_396 = vector.shape_cast %swap3A_395 : vector<16xi32> to vector<16xi32>
        %swap3A_397 = vector.shape_cast %add3A_393 : vector<16xi32> to vector<16xi32>
        tpu.vector_store %arg11[%swap3A_394], %swap3A_397 {strides = array<i32>} : memref<80xi32, #tpu.memory_space<vmem>>, vector<16xi32>,
        %get3A_398 = arith.constant 16 : index
        %get3A_399 = tpu.vector_load %arg11[%get3A_398] {strides = array<i32>} : memref<80xi32, #tpu.memory_space<vmem>>, vector<16xi32>,
        %get3A_400 = vector.shape_cast %get3A_399 : vector<16xi32> to vector<16xi32>
        %add3A_401 = arith.addi %get3A_400, %broadcast_in_dim3A : vector<16xi32>
        %swap3A_402 = arith.constant 16 : index
        %swap3A_403 = tpu.vector_load %arg11[%swap3A_402] {strides = array<i32>} : memref<80xi32, #tpu.memory_space<vmem>>, vector<16xi32>,
        %swap3A_404 = vector.shape_cast %swap3A_403 : vector<16xi32> to vector<16xi32>
        %swap3A_405 = vector.shape_cast %add3A_401 : vector<16xi32> to vector<16xi32>
        tpu.vector_store %arg11[%swap3A_402], %swap3A_405 {strides = array<i32>} : memref<80xi32, #tpu.memory_space<vmem>>, vector<16xi32>,
        %get3A_406 = arith.constant 32 : index
        %get3A_407 = tpu.vector_load %arg11[%get3A_406] {strides = array<i32>} : memref<80xi32, #tpu.memory_space<vmem>>, vector<16xi32>,
        %get3A_408 = vector.shape_cast %get3A_407 : vector<16xi32> to vector<16xi32>
        %add3A_409 = arith.addi %get3A_408, %broadcast_in_dim3A : vector<16xi32>
        %swap3A_410 = arith.constant 32 : index
        %swap3A_411 = tpu.vector_load %arg11[%swap3A_410] {strides = array<i32>} : memref<80xi32, #tpu.memory_space<vmem>>, vector<16xi32>,
        %swap3A_412 = vector.shape_cast %swap3A_411 : vector<16xi32> to vector<16xi32>
        %swap3A_413 = vector.shape_cast %add3A_409 : vector<16xi32> to vector<16xi32>
        tpu.vector_store %arg11[%swap3A_410], %swap3A_413 {strides = array<i32>} : memref<80xi32, #tpu.memory_space<vmem>>, vector<16xi32>,
        %get3A_414 = arith.constant 48 : index
        %get3A_415 = tpu.vector_load %arg11[%get3A_414] {strides = array<i32>} : memref<80xi32, #tpu.memory_space<vmem>>, vector<16xi32>,
        %get3A_416 = vector.shape_cast %get3A_415 : vector<16xi32> to vector<16xi32>
        %add3A_417 = arith.addi %get3A_416, %broadcast_in_dim3A : vector<16xi32>
        %swap3A_418 = arith.constant 48 : index
        %swap3A_419 = tpu.vector_load %arg11[%swap3A_418] {strides = array<i32>} : memref<80xi32, #tpu.memory_space<vmem>>, vector<16xi32>,
        %swap3A_420 = vector.shape_cast %swap3A_419 : vector<16xi32> to vector<16xi32>
        %swap3A_421 = vector.shape_cast %add3A_417 : vector<16xi32> to vector<16xi32>
        tpu.vector_store %arg11[%swap3A_418], %swap3A_421 {strides = array<i32>} : memref<80xi32, #tpu.memory_space<vmem>>, vector<16xi32>,
        %get3A_422 = arith.constant 64 : index
        %get3A_423 = tpu.vector_load %arg11[%get3A_422] {strides = array<i32>} : memref<80xi32, #tpu.memory_space<vmem>>, vector<16xi32>,
        %get3A_424 = vector.shape_cast %get3A_423 : vector<16xi32> to vector<16xi32>
        %add3A_425 = arith.addi %get3A_424, %broadcast_in_dim3A : vector<16xi32>
        %swap3A_426 = arith.constant 64 : index
        %swap3A_427 = tpu.vector_load %arg11[%swap3A_426] {strides = array<i32>} : memref<80xi32, #tpu.memory_space<vmem>>, vector<16xi32>,
        %swap3A_428 = vector.shape_cast %swap3A_427 : vector<16xi32> to vector<16xi32>
        %swap3A_429 = vector.shape_cast %add3A_425 : vector<16xi32> to vector<16xi32>
        tpu.vector_store %arg11[%swap3A_426], %swap3A_429 {strides = array<i32>} : memref<80xi32, #tpu.memory_space<vmem>>, vector<16xi32>,
        %dma_start3A_430 = arith.constant 0 : i32
        %dma_start3A_431 = arith.constant 0 : i32
        %dma_start3A_432 = tpu.memref_slice %arg2[%dma_start3A_430, %dma_start3A_431] : memref<20000x128xf32, #tpu.memory_space<hbm>> -> memref<20000x128xf32, #tpu.memory_space<hbm>>
        tpu.enqueue_indirect_dma source(%dma_start3A_432 : memref<20000x128xf32, #tpu.memory_space<hbm>>) target(%arg13 : memref<80x128xf32, #tpu.memory_space<vmem>>) offsets(%arg11 : memref<80xi32, #tpu.memory_space<vmem>>) semaphore(%arg18 : memref<!tpu.dma_semaphore, #tpu.memory_space<semaphore_mem>>)
      } else {
      }
      %dma_wait3A_301 = arith.constant 0 : i32
      %dma_wait3A_302 = arith.constant 0 : i32
      %dma_wait3A_303 = tpu.memref_slice %arg2[%dma_wait3A_301, %dma_wait3A_302] : memref<20000x128xf32, #tpu.memory_space<hbm>> -> memref<20000x128xf32, #tpu.memory_space<hbm>>
      tpu.wait_indirect_dma semaphore(%arg19 : memref<!tpu.dma_semaphore, #tpu.memory_space<semaphore_mem>>) src(%dma_wait3A_303 : memref<20000x128xf32, #tpu.memory_space<hbm>>) dst(%arg16 : memref<80x128xf32, #tpu.memory_space<vmem>>)
      %get3A_304 = arith.constant 0 : index
      %get3A_305 = tpu.vector_load %arg15[%get3A_304] {strides = array<i32>} : memref<80xi32, #tpu.memory_space<vmem>>, vector<16xi32>,
      %get3A_306 = vector.shape_cast %get3A_305 : vector<16xi32> to vector<16xi32>
      %sub3A_307 = arith.constant 5120 : i32
      %sub3A_308 = vector.broadcast %sub3A_307 : i32 to vector<16xi32>
      %sub3A_309 = arith.subi %get3A_306, %sub3A_308 : vector<16xi32>
      %ge3A_310 = arith.constant 0 : i32
      %ge3A_311 = vector.broadcast %ge3A_310 : i32 to vector<16xi32>
      %ge3A_312 = arith.cmpi sge, %sub3A_309, %ge3A_311 : vector<16xi32>
      %jit3A_313 = arith.constant 5120 : i32
      %broadcast_in_dim3A_314 = vector.broadcast %jit3A_313 : i32 to vector<16xi32>
      %select_n3A_315 = arith.select %ge3A_312, %sub3A_309, %broadcast_in_dim3A_314 : vector<16xi1>, vector<16xi32>
      %swap3A_316 = arith.constant 0 : index
      %swap3A_317 = tpu.vector_load %arg15[%swap3A_316] {strides = array<i32>} : memref<80xi32, #tpu.memory_space<vmem>>, vector<16xi32>,
      %swap3A_318 = vector.shape_cast %swap3A_317 : vector<16xi32> to vector<16xi32>
      %swap3A_319 = vector.shape_cast %select_n3A_315 : vector<16xi32> to vector<16xi32>
      tpu.vector_store %arg15[%swap3A_316], %swap3A_319 {strides = array<i32>} : memref<80xi32, #tpu.memory_space<vmem>>, vector<16xi32>,
      %get3A_320 = arith.constant 16 : index
      %get3A_321 = tpu.vector_load %arg15[%get3A_320] {strides = array<i32>} : memref<80xi32, #tpu.memory_space<vmem>>, vector<16xi32>,
      %get3A_322 = vector.shape_cast %get3A_321 : vector<16xi32> to vector<16xi32>
      %sub3A_323 = arith.constant 5120 : i32
      %sub3A_324 = vector.broadcast %sub3A_323 : i32 to vector<16xi32>
      %sub3A_325 = arith.subi %get3A_322, %sub3A_324 : vector<16xi32>
      %ge3A_326 = arith.constant 0 : i32
      %ge3A_327 = vector.broadcast %ge3A_326 : i32 to vector<16xi32>
      %ge3A_328 = arith.cmpi sge, %sub3A_325, %ge3A_327 : vector<16xi32>
      %jit3A_329 = arith.constant 5120 : i32
      %broadcast_in_dim3A_330 = vector.broadcast %jit3A_329 : i32 to vector<16xi32>
      %select_n3A_331 = arith.select %ge3A_328, %sub3A_325, %broadcast_in_dim3A_330 : vector<16xi1>, vector<16xi32>
      %swap3A_332 = arith.constant 16 : index
      %swap3A_333 = tpu.vector_load %arg15[%swap3A_332] {strides = array<i32>} : memref<80xi32, #tpu.memory_space<vmem>>, vector<16xi32>,
      %swap3A_334 = vector.shape_cast %swap3A_333 : vector<16xi32> to vector<16xi32>
      %swap3A_335 = vector.shape_cast %select_n3A_331 : vector<16xi32> to vector<16xi32>
      tpu.vector_store %arg15[%swap3A_332], %swap3A_335 {strides = array<i32>} : memref<80xi32, #tpu.memory_space<vmem>>, vector<16xi32>,
      %get3A_336 = arith.constant 32 : index
      %get3A_337 = tpu.vector_load %arg15[%get3A_336] {strides = array<i32>} : memref<80xi32, #tpu.memory_space<vmem>>, vector<16xi32>,
      %get3A_338 = vector.shape_cast %get3A_337 : vector<16xi32> to vector<16xi32>
      %sub3A_339 = arith.constant 5120 : i32
      %sub3A_340 = vector.broadcast %sub3A_339 : i32 to vector<16xi32>
      %sub3A_341 = arith.subi %get3A_338, %sub3A_340 : vector<16xi32>
      %ge3A_342 = arith.constant 0 : i32
      %ge3A_343 = vector.broadcast %ge3A_342 : i32 to vector<16xi32>
      %ge3A_344 = arith.cmpi sge, %sub3A_341, %ge3A_343 : vector<16xi32>
      %jit3A_345 = arith.constant 5120 : i32
      %broadcast_in_dim3A_346 = vector.broadcast %jit3A_345 : i32 to vector<16xi32>
      %select_n3A_347 = arith.select %ge3A_344, %sub3A_341, %broadcast_in_dim3A_346 : vector<16xi1>, vector<16xi32>
      %swap3A_348 = arith.constant 32 : index
      %swap3A_349 = tpu.vector_load %arg15[%swap3A_348] {strides = array<i32>} : memref<80xi32, #tpu.memory_space<vmem>>, vector<16xi32>,
      %swap3A_350 = vector.shape_cast %swap3A_349 : vector<16xi32> to vector<16xi32>
      %swap3A_351 = vector.shape_cast %select_n3A_347 : vector<16xi32> to vector<16xi32>
      tpu.vector_store %arg15[%swap3A_348], %swap3A_351 {strides = array<i32>} : memref<80xi32, #tpu.memory_space<vmem>>, vector<16xi32>,
      %get3A_352 = arith.constant 48 : index
      %get3A_353 = tpu.vector_load %arg15[%get3A_352] {strides = array<i32>} : memref<80xi32, #tpu.memory_space<vmem>>, vector<16xi32>,
      %get3A_354 = vector.shape_cast %get3A_353 : vector<16xi32> to vector<16xi32>
      %sub3A_355 = arith.constant 5120 : i32
      %sub3A_356 = vector.broadcast %sub3A_355 : i32 to vector<16xi32>
      %sub3A_357 = arith.subi %get3A_354, %sub3A_356 : vector<16xi32>
      %ge3A_358 = arith.constant 0 : i32
      %ge3A_359 = vector.broadcast %ge3A_358 : i32 to vector<16xi32>
      %ge3A_360 = arith.cmpi sge, %sub3A_357, %ge3A_359 : vector<16xi32>
      %jit3A_361 = arith.constant 5120 : i32
      %broadcast_in_dim3A_362 = vector.broadcast %jit3A_361 : i32 to vector<16xi32>
      %select_n3A_363 = arith.select %ge3A_360, %sub3A_357, %broadcast_in_dim3A_362 : vector<16xi1>, vector<16xi32>
      %swap3A_364 = arith.constant 48 : index
      %swap3A_365 = tpu.vector_load %arg15[%swap3A_364] {strides = array<i32>} : memref<80xi32, #tpu.memory_space<vmem>>, vector<16xi32>,
      %swap3A_366 = vector.shape_cast %swap3A_365 : vector<16xi32> to vector<16xi32>
      %swap3A_367 = vector.shape_cast %select_n3A_363 : vector<16xi32> to vector<16xi32>
      tpu.vector_store %arg15[%swap3A_364], %swap3A_367 {strides = array<i32>} : memref<80xi32, #tpu.memory_space<vmem>>, vector<16xi32>,
      %get3A_368 = arith.constant 64 : index
      %get3A_369 = tpu.vector_load %arg15[%get3A_368] {strides = array<i32>} : memref<80xi32, #tpu.memory_space<vmem>>, vector<16xi32>,
      %get3A_370 = vector.shape_cast %get3A_369 : vector<16xi32> to vector<16xi32>
      %sub3A_371 = arith.constant 5120 : i32
      %sub3A_372 = vector.broadcast %sub3A_371 : i32 to vector<16xi32>
      %sub3A_373 = arith.subi %get3A_370, %sub3A_372 : vector<16xi32>
      %ge3A_374 = arith.constant 0 : i32
      %ge3A_375 = vector.broadcast %ge3A_374 : i32 to vector<16xi32>
      %ge3A_376 = arith.cmpi sge, %sub3A_373, %ge3A_375 : vector<16xi32>
      %jit3A_377 = arith.constant 5120 : i32
      %broadcast_in_dim3A_378 = vector.broadcast %jit3A_377 : i32 to vector<16xi32>
      %select_n3A_379 = arith.select %ge3A_376, %sub3A_373, %broadcast_in_dim3A_378 : vector<16xi1>, vector<16xi32>
      %swap3A_380 = arith.constant 64 : index
      %swap3A_381 = tpu.vector_load %arg15[%swap3A_380] {strides = array<i32>} : memref<80xi32, #tpu.memory_space<vmem>>, vector<16xi32>,
      %swap3A_382 = vector.shape_cast %swap3A_381 : vector<16xi32> to vector<16xi32>
      %swap3A_383 = vector.shape_cast %select_n3A_379 : vector<16xi32> to vector<16xi32>
      tpu.vector_store %arg15[%swap3A_380], %swap3A_383 {strides = array<i32>} : memref<80xi32, #tpu.memory_space<vmem>>, vector<16xi32>,
      "tpu.region"() ({
        %run_scoped3A = tpu.sem_alloc : memref<!tpu.dma_semaphore, #tpu.memory_space<semaphore_mem>>
        %dma_start3A_385 = arith.constant 0 : i32
        %dma_start3A_386 = arith.constant 0 : i32
        %dma_start3A_387 = tpu.memref_slice %arg9[%dma_start3A_385, %dma_start3A_386] : memref<5128x128xf32, #tpu.memory_space<vmem_shared>> -> memref<5128x128xf32, #tpu.memory_space<vmem_shared>>
        tpu.enqueue_indirect_dma source(%arg16 : memref<80x128xf32, #tpu.memory_space<vmem>>) target(%dma_start3A_387 : memref<5128x128xf32, #tpu.memory_space<vmem_shared>>) offsets(%arg15 : memref<80xi32, #tpu.memory_space<vmem>>) semaphore(%run_scoped3A : memref<!tpu.dma_semaphore, #tpu.memory_space<semaphore_mem>>) {add = true}
        %dma_wait3A_388 = arith.constant 0 : i32
        %dma_wait3A_389 = arith.constant 0 : i32
        %dma_wait3A_390 = tpu.memref_slice %arg9[%dma_wait3A_388, %dma_wait3A_389] : memref<5128x128xf32, #tpu.memory_space<vmem_shared>> -> memref<5128x128xf32, #tpu.memory_space<vmem_shared>>
        tpu.wait_indirect_dma semaphore(%run_scoped3A : memref<!tpu.dma_semaphore, #tpu.memory_space<semaphore_mem>>) src(%arg16 : memref<80x128xf32, #tpu.memory_space<vmem>>) dst(%dma_wait3A_390 : memref<5128x128xf32, #tpu.memory_space<vmem_shared>>)
        tpu.yield
      }) : () -> ()
      "tpu.region"() ({
        %run_scoped3A = tpu.sem_alloc : memref<!tpu.dma_semaphore, #tpu.memory_space<semaphore_mem>>
        %dma_start3A_385 = arith.constant 0 : i32
        %dma_start3A_386 = arith.constant 0 : i32
        %dma_start3A_387 = tpu.memref_slice %arg10[%dma_start3A_385, %dma_start3A_386] : memref<5128x128xf32, #tpu.memory_space<vmem_shared>> -> memref<5128x128xf32, #tpu.memory_space<vmem_shared>>
        tpu.enqueue_indirect_dma source(%arg17 : memref<80x128xf32, #tpu.memory_space<vmem>>) target(%dma_start3A_387 : memref<5128x128xf32, #tpu.memory_space<vmem_shared>>) offsets(%arg15 : memref<80xi32, #tpu.memory_space<vmem>>) semaphore(%run_scoped3A : memref<!tpu.dma_semaphore, #tpu.memory_space<semaphore_mem>>) {add = true}
        %dma_wait3A_388 = arith.constant 0 : i32
        %dma_wait3A_389 = arith.constant 0 : i32
        %dma_wait3A_390 = tpu.memref_slice %arg10[%dma_wait3A_388, %dma_wait3A_389] : memref<5128x128xf32, #tpu.memory_space<vmem_shared>> -> memref<5128x128xf32, #tpu.memory_space<vmem_shared>>
        tpu.wait_indirect_dma semaphore(%run_scoped3A : memref<!tpu.dma_semaphore, #tpu.memory_space<semaphore_mem>>) src(%arg17 : memref<80x128xf32, #tpu.memory_space<vmem>>) dst(%dma_wait3A_390 : memref<5128x128xf32, #tpu.memory_space<vmem_shared>>)
        tpu.yield
      }) : () -> ()
      %scan3A_384 = arith.constant 0 : i32
      scf.yield %scan3A_384 : i32
    }
    %scan3A_137 = arith.constant 125 : i32
    %lt3A_138 = arith.constant 0 : i32
    %lt3A_139 = arith.cmpi slt, %arg1, %lt3A_138 : i32
    %convert_element_type3A_140 = arith.extui %lt3A_139 : i1 to i32
    %cond3A_141 = arith.constant 0 : i32
    %cond3A_142 = arith.cmpi ne, %convert_element_type3A_140, %cond3A_141 : i32
    scf.if %cond3A_142 {
      %add3A_162 = arith.constant 4000 : i32
      %add3A_163 = arith.addi %add3A_162, %arg1 : i32
      %mul3A_164 = arith.constant 80 : i32
      %mul3A_165 = arith.muli %add3A_163, %mul3A_164 : i32
      %add3A_166 = arith.addi %mul3A_0, %mul3A_165 : i32
      "tpu.region"() ({
        %run_scoped3A = tpu.sem_alloc : memref<!tpu.dma_semaphore, #tpu.memory_space<semaphore_mem>>
        %dma_start3A_288 = tpu.memref_slice %arg3[%add3A_166] : memref<640000xi32, #tpu.memory_space<hbm>> -> memref<80xi32, #tpu.memory_space<hbm>>
        %dma_start3A_289 = tpu.memref_slice %arg3[%add3A_166] : memref<640000xi32, #tpu.memory_space<hbm>> -> memref<80xi32, #tpu.memory_space<hbm>>
        tpu.enqueue_dma source(%dma_start3A_289 : memref<80xi32, #tpu.memory_space<hbm>>) target(%arg11 : memref<80xi32, #tpu.memory_space<vmem>>) target_semaphore(%run_scoped3A : memref<!tpu.dma_semaphore, #tpu.memory_space<semaphore_mem>>)
        %dma_wait3A_290 = tpu.memref_slice %arg3[%add3A_166] : memref<640000xi32, #tpu.memory_space<hbm>> -> memref<80xi32, #tpu.memory_space<hbm>>
        %dma_wait3A_291 = tpu.memref_slice %arg3[%add3A_166] : memref<640000xi32, #tpu.memory_space<hbm>> -> memref<80xi32, #tpu.memory_space<hbm>>
        tpu.wait_dma2 semaphore(%run_scoped3A : memref<!tpu.dma_semaphore, #tpu.memory_space<semaphore_mem>>) src(%dma_wait3A_291 : memref<80xi32, #tpu.memory_space<hbm>>) dst(%arg11 : memref<80xi32, #tpu.memory_space<vmem>>)
        tpu.yield
      }) : () -> ()
      "tpu.region"() ({
        %run_scoped3A = tpu.sem_alloc : memref<!tpu.dma_semaphore, #tpu.memory_space<semaphore_mem>>
        %dma_start3A_288 = tpu.memref_slice %arg4[%add3A_166] : memref<640000xi32, #tpu.memory_space<hbm>> -> memref<80xi32, #tpu.memory_space<hbm>>
        %dma_start3A_289 = tpu.memref_slice %arg4[%add3A_166] : memref<640000xi32, #tpu.memory_space<hbm>> -> memref<80xi32, #tpu.memory_space<hbm>>
        tpu.enqueue_dma source(%dma_start3A_289 : memref<80xi32, #tpu.memory_space<hbm>>) target(%arg12 : memref<80xi32, #tpu.memory_space<vmem>>) target_semaphore(%run_scoped3A : memref<!tpu.dma_semaphore, #tpu.memory_space<semaphore_mem>>)
        %dma_wait3A_290 = tpu.memref_slice %arg4[%add3A_166] : memref<640000xi32, #tpu.memory_space<hbm>> -> memref<80xi32, #tpu.memory_space<hbm>>
        %dma_wait3A_291 = tpu.memref_slice %arg4[%add3A_166] : memref<640000xi32, #tpu.memory_space<hbm>> -> memref<80xi32, #tpu.memory_space<hbm>>
        tpu.wait_dma2 semaphore(%run_scoped3A : memref<!tpu.dma_semaphore, #tpu.memory_space<semaphore_mem>>) src(%dma_wait3A_291 : memref<80xi32, #tpu.memory_space<hbm>>) dst(%arg12 : memref<80xi32, #tpu.memory_space<vmem>>)
        tpu.yield
      }) : () -> ()
      %get3A_167 = arith.constant 0 : index
      %get3A_168 = tpu.vector_load %arg11[%get3A_167] {strides = array<i32>} : memref<80xi32, #tpu.memory_space<vmem>>, vector<16xi32>,
      %get3A_169 = vector.shape_cast %get3A_168 : vector<16xi32> to vector<16xi32>
      %add3A_170 = arith.addi %get3A_169, %broadcast_in_dim3A : vector<16xi32>
      %swap3A_171 = arith.constant 0 : index
      %swap3A_172 = tpu.vector_load %arg11[%swap3A_171] {strides = array<i32>} : memref<80xi32, #tpu.memory_space<vmem>>, vector<16xi32>,
      %swap3A_173 = vector.shape_cast %swap3A_172 : vector<16xi32> to vector<16xi32>
      %swap3A_174 = vector.shape_cast %add3A_170 : vector<16xi32> to vector<16xi32>
      tpu.vector_store %arg11[%swap3A_171], %swap3A_174 {strides = array<i32>} : memref<80xi32, #tpu.memory_space<vmem>>, vector<16xi32>,
      %get3A_175 = arith.constant 16 : index
      %get3A_176 = tpu.vector_load %arg11[%get3A_175] {strides = array<i32>} : memref<80xi32, #tpu.memory_space<vmem>>, vector<16xi32>,
      %get3A_177 = vector.shape_cast %get3A_176 : vector<16xi32> to vector<16xi32>
      %add3A_178 = arith.addi %get3A_177, %broadcast_in_dim3A : vector<16xi32>
      %swap3A_179 = arith.constant 16 : index
      %swap3A_180 = tpu.vector_load %arg11[%swap3A_179] {strides = array<i32>} : memref<80xi32, #tpu.memory_space<vmem>>, vector<16xi32>,
      %swap3A_181 = vector.shape_cast %swap3A_180 : vector<16xi32> to vector<16xi32>
      %swap3A_182 = vector.shape_cast %add3A_178 : vector<16xi32> to vector<16xi32>
      tpu.vector_store %arg11[%swap3A_179], %swap3A_182 {strides = array<i32>} : memref<80xi32, #tpu.memory_space<vmem>>, vector<16xi32>,
      %get3A_183 = arith.constant 32 : index
      %get3A_184 = tpu.vector_load %arg11[%get3A_183] {strides = array<i32>} : memref<80xi32, #tpu.memory_space<vmem>>, vector<16xi32>,
      %get3A_185 = vector.shape_cast %get3A_184 : vector<16xi32> to vector<16xi32>
      %add3A_186 = arith.addi %get3A_185, %broadcast_in_dim3A : vector<16xi32>
      %swap3A_187 = arith.constant 32 : index
      %swap3A_188 = tpu.vector_load %arg11[%swap3A_187] {strides = array<i32>} : memref<80xi32, #tpu.memory_space<vmem>>, vector<16xi32>,
      %swap3A_189 = vector.shape_cast %swap3A_188 : vector<16xi32> to vector<16xi32>
      %swap3A_190 = vector.shape_cast %add3A_186 : vector<16xi32> to vector<16xi32>
      tpu.vector_store %arg11[%swap3A_187], %swap3A_190 {strides = array<i32>} : memref<80xi32, #tpu.memory_space<vmem>>, vector<16xi32>,
      %get3A_191 = arith.constant 48 : index
      %get3A_192 = tpu.vector_load %arg11[%get3A_191] {strides = array<i32>} : memref<80xi32, #tpu.memory_space<vmem>>, vector<16xi32>,
      %get3A_193 = vector.shape_cast %get3A_192 : vector<16xi32> to vector<16xi32>
      %add3A_194 = arith.addi %get3A_193, %broadcast_in_dim3A : vector<16xi32>
      %swap3A_195 = arith.constant 48 : index
      %swap3A_196 = tpu.vector_load %arg11[%swap3A_195] {strides = array<i32>} : memref<80xi32, #tpu.memory_space<vmem>>, vector<16xi32>,
      %swap3A_197 = vector.shape_cast %swap3A_196 : vector<16xi32> to vector<16xi32>
      %swap3A_198 = vector.shape_cast %add3A_194 : vector<16xi32> to vector<16xi32>
      tpu.vector_store %arg11[%swap3A_195], %swap3A_198 {strides = array<i32>} : memref<80xi32, #tpu.memory_space<vmem>>, vector<16xi32>,
      %get3A_199 = arith.constant 64 : index
      %get3A_200 = tpu.vector_load %arg11[%get3A_199] {strides = array<i32>} : memref<80xi32, #tpu.memory_space<vmem>>, vector<16xi32>,
      %get3A_201 = vector.shape_cast %get3A_200 : vector<16xi32> to vector<16xi32>
      %add3A_202 = arith.addi %get3A_201, %broadcast_in_dim3A : vector<16xi32>
      %swap3A_203 = arith.constant 64 : index
      %swap3A_204 = tpu.vector_load %arg11[%swap3A_203] {strides = array<i32>} : memref<80xi32, #tpu.memory_space<vmem>>, vector<16xi32>,
      %swap3A_205 = vector.shape_cast %swap3A_204 : vector<16xi32> to vector<16xi32>
      %swap3A_206 = vector.shape_cast %add3A_202 : vector<16xi32> to vector<16xi32>
      tpu.vector_store %arg11[%swap3A_203], %swap3A_206 {strides = array<i32>} : memref<80xi32, #tpu.memory_space<vmem>>, vector<16xi32>,
      %dma_start3A_207 = arith.constant 0 : i32
      %dma_start3A_208 = arith.constant 0 : i32
      %dma_start3A_209 = tpu.memref_slice %arg2[%dma_start3A_207, %dma_start3A_208] : memref<20000x128xf32, #tpu.memory_space<hbm>> -> memref<20000x128xf32, #tpu.memory_space<hbm>>
      tpu.enqueue_indirect_dma source(%dma_start3A_209 : memref<20000x128xf32, #tpu.memory_space<hbm>>) target(%arg13 : memref<80x128xf32, #tpu.memory_space<vmem>>) offsets(%arg11 : memref<80xi32, #tpu.memory_space<vmem>>) semaphore(%arg18 : memref<!tpu.dma_semaphore, #tpu.memory_space<semaphore_mem>>)
      %dma_wait3A = arith.constant 0 : i32
      %dma_wait3A_210 = arith.constant 0 : i32
      %dma_wait3A_211 = tpu.memref_slice %arg2[%dma_wait3A, %dma_wait3A_210] : memref<20000x128xf32, #tpu.memory_space<hbm>> -> memref<20000x128xf32, #tpu.memory_space<hbm>>
      tpu.wait_indirect_dma semaphore(%arg18 : memref<!tpu.dma_semaphore, #tpu.memory_space<semaphore_mem>>) src(%dma_wait3A_211 : memref<20000x128xf32, #tpu.memory_space<hbm>>) dst(%arg13 : memref<80x128xf32, #tpu.memory_space<vmem>>)
      %get3A_212 = arith.constant 0 : index
      %get3A_213 = tpu.vector_load %arg12[%get3A_212] {strides = array<i32>} : memref<80xi32, #tpu.memory_space<vmem>>, vector<16xi32>,
      %get3A_214 = vector.shape_cast %get3A_213 : vector<16xi32> to vector<16xi32>
      %sub3A = arith.constant 5120 : i32
      %sub3A_215 = vector.broadcast %sub3A : i32 to vector<16xi32>
      %sub3A_216 = arith.subi %get3A_214, %sub3A_215 : vector<16xi32>
      %ge3A = arith.constant 0 : i32
      %ge3A_217 = vector.broadcast %ge3A : i32 to vector<16xi32>
      %ge3A_218 = arith.cmpi sge, %sub3A_216, %ge3A_217 : vector<16xi32>
      %jit3A = arith.constant 5120 : i32
      %broadcast_in_dim3A_219 = vector.broadcast %jit3A : i32 to vector<16xi32>
      %select_n3A = arith.select %ge3A_218, %sub3A_216, %broadcast_in_dim3A_219 : vector<16xi1>, vector<16xi32>
      %swap3A_220 = arith.constant 0 : index
      %swap3A_221 = tpu.vector_load %arg12[%swap3A_220] {strides = array<i32>} : memref<80xi32, #tpu.memory_space<vmem>>, vector<16xi32>,
      %swap3A_222 = vector.shape_cast %swap3A_221 : vector<16xi32> to vector<16xi32>
      %swap3A_223 = vector.shape_cast %select_n3A : vector<16xi32> to vector<16xi32>
      tpu.vector_store %arg12[%swap3A_220], %swap3A_223 {strides = array<i32>} : memref<80xi32, #tpu.memory_space<vmem>>, vector<16xi32>,
      %get3A_224 = arith.constant 16 : index
      %get3A_225 = tpu.vector_load %arg12[%get3A_224] {strides = array<i32>} : memref<80xi32, #tpu.memory_space<vmem>>, vector<16xi32>,
      %get3A_226 = vector.shape_cast %get3A_225 : vector<16xi32> to vector<16xi32>
      %sub3A_227 = arith.constant 5120 : i32
      %sub3A_228 = vector.broadcast %sub3A_227 : i32 to vector<16xi32>
      %sub3A_229 = arith.subi %get3A_226, %sub3A_228 : vector<16xi32>
      %ge3A_230 = arith.constant 0 : i32
      %ge3A_231 = vector.broadcast %ge3A_230 : i32 to vector<16xi32>
      %ge3A_232 = arith.cmpi sge, %sub3A_229, %ge3A_231 : vector<16xi32>
      %jit3A_233 = arith.constant 5120 : i32
      %broadcast_in_dim3A_234 = vector.broadcast %jit3A_233 : i32 to vector<16xi32>
      %select_n3A_235 = arith.select %ge3A_232, %sub3A_229, %broadcast_in_dim3A_234 : vector<16xi1>, vector<16xi32>
      %swap3A_236 = arith.constant 16 : index
      %swap3A_237 = tpu.vector_load %arg12[%swap3A_236] {strides = array<i32>} : memref<80xi32, #tpu.memory_space<vmem>>, vector<16xi32>,
      %swap3A_238 = vector.shape_cast %swap3A_237 : vector<16xi32> to vector<16xi32>
      %swap3A_239 = vector.shape_cast %select_n3A_235 : vector<16xi32> to vector<16xi32>
      tpu.vector_store %arg12[%swap3A_236], %swap3A_239 {strides = array<i32>} : memref<80xi32, #tpu.memory_space<vmem>>, vector<16xi32>,
      %get3A_240 = arith.constant 32 : index
      %get3A_241 = tpu.vector_load %arg12[%get3A_240] {strides = array<i32>} : memref<80xi32, #tpu.memory_space<vmem>>, vector<16xi32>,
      %get3A_242 = vector.shape_cast %get3A_241 : vector<16xi32> to vector<16xi32>
      %sub3A_243 = arith.constant 5120 : i32
      %sub3A_244 = vector.broadcast %sub3A_243 : i32 to vector<16xi32>
      %sub3A_245 = arith.subi %get3A_242, %sub3A_244 : vector<16xi32>
      %ge3A_246 = arith.constant 0 : i32
      %ge3A_247 = vector.broadcast %ge3A_246 : i32 to vector<16xi32>
      %ge3A_248 = arith.cmpi sge, %sub3A_245, %ge3A_247 : vector<16xi32>
      %jit3A_249 = arith.constant 5120 : i32
      %broadcast_in_dim3A_250 = vector.broadcast %jit3A_249 : i32 to vector<16xi32>
      %select_n3A_251 = arith.select %ge3A_248, %sub3A_245, %broadcast_in_dim3A_250 : vector<16xi1>, vector<16xi32>
      %swap3A_252 = arith.constant 32 : index
      %swap3A_253 = tpu.vector_load %arg12[%swap3A_252] {strides = array<i32>} : memref<80xi32, #tpu.memory_space<vmem>>, vector<16xi32>,
      %swap3A_254 = vector.shape_cast %swap3A_253 : vector<16xi32> to vector<16xi32>
      %swap3A_255 = vector.shape_cast %select_n3A_251 : vector<16xi32> to vector<16xi32>
      tpu.vector_store %arg12[%swap3A_252], %swap3A_255 {strides = array<i32>} : memref<80xi32, #tpu.memory_space<vmem>>, vector<16xi32>,
      %get3A_256 = arith.constant 48 : index
      %get3A_257 = tpu.vector_load %arg12[%get3A_256] {strides = array<i32>} : memref<80xi32, #tpu.memory_space<vmem>>, vector<16xi32>,
      %get3A_258 = vector.shape_cast %get3A_257 : vector<16xi32> to vector<16xi32>
      %sub3A_259 = arith.constant 5120 : i32
      %sub3A_260 = vector.broadcast %sub3A_259 : i32 to vector<16xi32>
      %sub3A_261 = arith.subi %get3A_258, %sub3A_260 : vector<16xi32>
      %ge3A_262 = arith.constant 0 : i32
      %ge3A_263 = vector.broadcast %ge3A_262 : i32 to vector<16xi32>
      %ge3A_264 = arith.cmpi sge, %sub3A_261, %ge3A_263 : vector<16xi32>
      %jit3A_265 = arith.constant 5120 : i32
      %broadcast_in_dim3A_266 = vector.broadcast %jit3A_265 : i32 to vector<16xi32>
      %select_n3A_267 = arith.select %ge3A_264, %sub3A_261, %broadcast_in_dim3A_266 : vector<16xi1>, vector<16xi32>
      %swap3A_268 = arith.constant 48 : index
      %swap3A_269 = tpu.vector_load %arg12[%swap3A_268] {strides = array<i32>} : memref<80xi32, #tpu.memory_space<vmem>>, vector<16xi32>,
      %swap3A_270 = vector.shape_cast %swap3A_269 : vector<16xi32> to vector<16xi32>
      %swap3A_271 = vector.shape_cast %select_n3A_267 : vector<16xi32> to vector<16xi32>
      tpu.vector_store %arg12[%swap3A_268], %swap3A_271 {strides = array<i32>} : memref<80xi32, #tpu.memory_space<vmem>>, vector<16xi32>,
      %get3A_272 = arith.constant 64 : index
      %get3A_273 = tpu.vector_load %arg12[%get3A_272] {strides = array<i32>} : memref<80xi32, #tpu.memory_space<vmem>>, vector<16xi32>,
      %get3A_274 = vector.shape_cast %get3A_273 : vector<16xi32> to vector<16xi32>
      %sub3A_275 = arith.constant 5120 : i32
      %sub3A_276 = vector.broadcast %sub3A_275 : i32 to vector<16xi32>
      %sub3A_277 = arith.subi %get3A_274, %sub3A_276 : vector<16xi32>
      %ge3A_278 = arith.constant 0 : i32
      %ge3A_279 = vector.broadcast %ge3A_278 : i32 to vector<16xi32>
      %ge3A_280 = arith.cmpi sge, %sub3A_277, %ge3A_279 : vector<16xi32>
      %jit3A_281 = arith.constant 5120 : i32
      %broadcast_in_dim3A_282 = vector.broadcast %jit3A_281 : i32 to vector<16xi32>
      %select_n3A_283 = arith.select %ge3A_280, %sub3A_277, %broadcast_in_dim3A_282 : vector<16xi1>, vector<16xi32>
      %swap3A_284 = arith.constant 64 : index
      %swap3A_285 = tpu.vector_load %arg12[%swap3A_284] {strides = array<i32>} : memref<80xi32, #tpu.memory_space<vmem>>, vector<16xi32>,
      %swap3A_286 = vector.shape_cast %swap3A_285 : vector<16xi32> to vector<16xi32>
      %swap3A_287 = vector.shape_cast %select_n3A_283 : vector<16xi32> to vector<16xi32>
      tpu.vector_store %arg12[%swap3A_284], %swap3A_287 {strides = array<i32>} : memref<80xi32, #tpu.memory_space<vmem>>, vector<16xi32>,
      "tpu.region"() ({
        %run_scoped3A = tpu.sem_alloc : memref<!tpu.dma_semaphore, #tpu.memory_space<semaphore_mem>>
        %dma_start3A_288 = arith.constant 0 : i32
        %dma_start3A_289 = arith.constant 0 : i32
        %dma_start3A_290 = tpu.memref_slice %arg9[%dma_start3A_288, %dma_start3A_289] : memref<5128x128xf32, #tpu.memory_space<vmem_shared>> -> memref<5128x128xf32, #tpu.memory_space<vmem_shared>>
        tpu.enqueue_indirect_dma source(%arg13 : memref<80x128xf32, #tpu.memory_space<vmem>>) target(%dma_start3A_290 : memref<5128x128xf32, #tpu.memory_space<vmem_shared>>) offsets(%arg12 : memref<80xi32, #tpu.memory_space<vmem>>) semaphore(%run_scoped3A : memref<!tpu.dma_semaphore, #tpu.memory_space<semaphore_mem>>) {add = true}
        %dma_wait3A_291 = arith.constant 0 : i32
        %dma_wait3A_292 = arith.constant 0 : i32
        %dma_wait3A_293 = tpu.memref_slice %arg9[%dma_wait3A_291, %dma_wait3A_292] : memref<5128x128xf32, #tpu.memory_space<vmem_shared>> -> memref<5128x128xf32, #tpu.memory_space<vmem_shared>>
        tpu.wait_indirect_dma semaphore(%run_scoped3A : memref<!tpu.dma_semaphore, #tpu.memory_space<semaphore_mem>>) src(%arg13 : memref<80x128xf32, #tpu.memory_space<vmem>>) dst(%dma_wait3A_293 : memref<5128x128xf32, #tpu.memory_space<vmem_shared>>)
        tpu.yield
      }) : () -> ()
      "tpu.region"() ({
        %run_scoped3A = tpu.sem_alloc : memref<!tpu.dma_semaphore, #tpu.memory_space<semaphore_mem>>
        %dma_start3A_288 = arith.constant 0 : i32
        %dma_start3A_289 = arith.constant 0 : i32
        %dma_start3A_290 = tpu.memref_slice %arg10[%dma_start3A_288, %dma_start3A_289] : memref<5128x128xf32, #tpu.memory_space<vmem_shared>> -> memref<5128x128xf32, #tpu.memory_space<vmem_shared>>
        tpu.enqueue_indirect_dma source(%arg17 : memref<80x128xf32, #tpu.memory_space<vmem>>) target(%dma_start3A_290 : memref<5128x128xf32, #tpu.memory_space<vmem_shared>>) offsets(%arg12 : memref<80xi32, #tpu.memory_space<vmem>>) semaphore(%run_scoped3A : memref<!tpu.dma_semaphore, #tpu.memory_space<semaphore_mem>>) {add = true}
        %dma_wait3A_291 = arith.constant 0 : i32
        %dma_wait3A_292 = arith.constant 0 : i32
        %dma_wait3A_293 = tpu.memref_slice %arg10[%dma_wait3A_291, %dma_wait3A_292] : memref<5128x128xf32, #tpu.memory_space<vmem_shared>> -> memref<5128x128xf32, #tpu.memory_space<vmem_shared>>
        tpu.wait_indirect_dma semaphore(%run_scoped3A : memref<!tpu.dma_semaphore, #tpu.memory_space<semaphore_mem>>) src(%arg17 : memref<80x128xf32, #tpu.memory_space<vmem>>) dst(%dma_wait3A_293 : memref<5128x128xf32, #tpu.memory_space<vmem_shared>>)
        tpu.yield
      }) : () -> ()
    } else {
    }
    %barrier3A_143 = arith.constant 0 : index
    tpu.barrier barrier_id(%barrier3A_143)
    %mul3A_144 = arith.constant 320 : i32
    %mul3A_145 = arith.muli %arg1, %mul3A_144 : i32
    %mul3A_146 = arith.constant 10240 : i32
    %mul3A_147 = arith.muli %arg0, %mul3A_146 : i32
    %add3A_148 = arith.constant 5120 : i32
    %add3A_149 = arith.addi %mul3A_147, %add3A_148 : i32
    %mul3A_150 = arith.constant 320 : i32
    %mul3A_151 = arith.muli %arg1, %mul3A_150 : i32
    %add3A_152 = arith.addi %add3A_149, %mul3A_151 : i32
    "tpu.region"() ({
      %run_scoped3A = tpu.sem_alloc : memref<!tpu.dma_semaphore, #tpu.memory_space<semaphore_mem>>
      %dma_start3A_162 = arith.constant 0 : i32
      %dma_start3A_163 = tpu.memref_slice %arg7[%add3A_152, %dma_start3A_162] : memref<20480x128xf32, #tpu.memory_space<hbm>> -> memref<320x128xf32, #tpu.memory_space<hbm>>
      %dma_start3A_164 = arith.constant 0 : i32
      %dma_start3A_165 = tpu.memref_slice %arg9[%mul3A_145, %dma_start3A_164] : memref<5128x128xf32, #tpu.memory_space<vmem_shared>> -> memref<320x128xf32, #tpu.memory_space<vmem_shared>>
      tpu.enqueue_dma source(%dma_start3A_165 : memref<320x128xf32, #tpu.memory_space<vmem_shared>>) target(%dma_start3A_163 : memref<320x128xf32, #tpu.memory_space<hbm>>) target_semaphore(%run_scoped3A : memref<!tpu.dma_semaphore, #tpu.memory_space<semaphore_mem>>)
      %dma_wait3A = arith.constant 0 : i32
      %dma_wait3A_166 = tpu.memref_slice %arg7[%add3A_152, %dma_wait3A] : memref<20480x128xf32, #tpu.memory_space<hbm>> -> memref<320x128xf32, #tpu.memory_space<hbm>>
      %dma_wait3A_167 = arith.constant 0 : i32
      %dma_wait3A_168 = tpu.memref_slice %arg9[%mul3A_145, %dma_wait3A_167] : memref<5128x128xf32, #tpu.memory_space<vmem_shared>> -> memref<320x128xf32, #tpu.memory_space<vmem_shared>>
      tpu.wait_dma2 semaphore(%run_scoped3A : memref<!tpu.dma_semaphore, #tpu.memory_space<semaphore_mem>>) src(%dma_wait3A_168 : memref<320x128xf32, #tpu.memory_space<vmem_shared>>) dst(%dma_wait3A_166 : memref<320x128xf32, #tpu.memory_space<hbm>>)
      tpu.yield
    }) : () -> ()
    %mul3A_153 = arith.constant 320 : i32
    %mul3A_154 = arith.muli %arg1, %mul3A_153 : i32
    %mul3A_155 = arith.constant 10240 : i32
    %mul3A_156 = arith.muli %arg0, %mul3A_155 : i32
    %add3A_157 = arith.constant 5120 : i32
    %add3A_158 = arith.addi %mul3A_156, %add3A_157 : i32
    %mul3A_159 = arith.constant 320 : i32
    %mul3A_160 = arith.muli %arg1, %mul3A_159 : i32
    %add3A_161 = arith.addi %add3A_158, %mul3A_160 : i32
    "tpu.region"() ({
      %run_scoped3A = tpu.sem_alloc : memref<!tpu.dma_semaphore, #tpu.memory_space<semaphore_mem>>
      %dma_start3A_162 = arith.constant 0 : i32
      %dma_start3A_163 = tpu.memref_slice %arg8[%add3A_161, %dma_start3A_162] : memref<20480x128xf32, #tpu.memory_space<hbm>> -> memref<320x128xf32, #tpu.memory_space<hbm>>
      %dma_start3A_164 = arith.constant 0 : i32
      %dma_start3A_165 = tpu.memref_slice %arg10[%mul3A_154, %dma_start3A_164] : memref<5128x128xf32, #tpu.memory_space<vmem_shared>> -> memref<320x128xf32, #tpu.memory_space<vmem_shared>>
      tpu.enqueue_dma source(%dma_start3A_165 : memref<320x128xf32, #tpu.memory_space<vmem_shared>>) target(%dma_start3A_163 : memref<320x128xf32, #tpu.memory_space<hbm>>) target_semaphore(%run_scoped3A : memref<!tpu.dma_semaphore, #tpu.memory_space<semaphore_mem>>)
      %dma_wait3A = arith.constant 0 : i32
      %dma_wait3A_166 = tpu.memref_slice %arg8[%add3A_161, %dma_wait3A] : memref<20480x128xf32, #tpu.memory_space<hbm>> -> memref<320x128xf32, #tpu.memory_space<hbm>>
      %dma_wait3A_167 = arith.constant 0 : i32
      %dma_wait3A_168 = tpu.memref_slice %arg10[%mul3A_154, %dma_wait3A_167] : memref<5128x128xf32, #tpu.memory_space<vmem_shared>> -> memref<320x128xf32, #tpu.memory_space<vmem_shared>>
      tpu.wait_dma2 semaphore(%run_scoped3A : memref<!tpu.dma_semaphore, #tpu.memory_space<semaphore_mem>>) src(%dma_wait3A_168 : memref<320x128xf32, #tpu.memory_space<vmem_shared>>) dst(%dma_wait3A_166 : memref<320x128xf32, #tpu.memory_space<hbm>>)
      tpu.yield
    }) : () -> ()
    return
  }
}

module attributes {stable_mosaic.version = 14 : i64} {
  func.func @_tail_body(%arg0: i32, %arg1: memref<1000x128xf32, #tpu.memory_space<vmem>>, %arg2: memref<1000x128xf32, #tpu.memory_space<vmem>>, %arg3: memref<1000x128xf32, #tpu.memory_space<vmem>>, %arg4: memref<1000x1xf32, #tpu.memory_space<vmem>>, %arg5: memref<1000x128xf32, #tpu.memory_space<vmem>>, %arg6: memref<1000x1xf32, #tpu.memory_space<vmem>>, %arg7: memref<128x128xf32, #tpu.memory_space<vmem>>, %arg8: memref<1x128xf32, #tpu.memory_space<vmem>>, %arg9: memref<128x128xf32, #tpu.memory_space<vmem>>, %arg10: memref<1x128xf32, #tpu.memory_space<vmem>>, %arg11: memref<128x128xf32, #tpu.memory_space<vmem>>, %arg12: memref<128x128xf32, #tpu.memory_space<vmem>>, %arg13: memref<1000x128xf32, #tpu.memory_space<vmem>>, %arg14: memref<1000x128xf32, #tpu.memory_space<vmem>>) attributes {dimension_semantics = [#tpu.dimension_semantics<arbitrary>], iteration_bounds = array<i64: 10>, scalar_prefetch = 0 : i64, scratch_operands = 0 : i64, tpu.core_type = #tpu.core_type<tc>, window_params = [{transform_indices = @transform_0, window_bounds = array<i64: 1000, 128>}, {transform_indices = @transform_1, window_bounds = array<i64: 1000, 128>}, {transform_indices = @transform_2, window_bounds = array<i64: 1000, 128>}, {transform_indices = @transform_3, window_bounds = array<i64: 1000, 1>}, {transform_indices = @transform_4, window_bounds = array<i64: 1000, 128>}, {transform_indices = @transform_5, window_bounds = array<i64: 1000, 1>}, {pipeline_mode = #tpu.pipeline_mode<synchronous>, transform_indices = @transform_6, window_bounds = array<i64: 128, 128>}, {pipeline_mode = #tpu.pipeline_mode<synchronous>, transform_indices = @transform_7, window_bounds = array<i64: 1, 128>}, {pipeline_mode = #tpu.pipeline_mode<synchronous>, transform_indices = @transform_8, window_bounds = array<i64: 128, 128>}, {pipeline_mode = #tpu.pipeline_mode<synchronous>, transform_indices = @transform_9, window_bounds = array<i64: 1, 128>}, {pipeline_mode = #tpu.pipeline_mode<synchronous>, transform_indices = @transform_10, window_bounds = array<i64: 128, 128>}, {pipeline_mode = #tpu.pipeline_mode<synchronous>, transform_indices = @transform_11, window_bounds = array<i64: 128, 128>}, {transform_indices = @transform_12, window_bounds = array<i64: 1000, 128>}, {transform_indices = @transform_13, window_bounds = array<i64: 1000, 128>}]} {
    %get3A = arith.constant 0 : index
    %get3A_0 = arith.constant 0 : index
    %get3A_1 = vector.load %arg3[%get3A, %get3A_0] : memref<1000x128xf32, #tpu.memory_space<vmem>>, vector<1000x128xf32>
    %get3A_2 = arith.constant 0 : index
    %get3A_3 = arith.constant 0 : index
    %get3A_4 = vector.load %arg4[%get3A_2, %get3A_3] : memref<1000x1xf32, #tpu.memory_space<vmem>>, vector<1000x1xf32>
    %max3A = arith.constant 1.000000e+00 : f32
    %max3A_5 = vector.broadcast %max3A : f32 to vector<1000x1xf32>
    %max3A_6 = arith.maximumf %get3A_4, %max3A_5 : vector<1000x1xf32>
    %div3A = vector.broadcast %max3A_6 : vector<1000x1xf32> to vector<1000x128xf32>
    %div3A_7 = arith.divf %get3A_1, %div3A : vector<1000x128xf32>
    %get3A_8 = arith.constant 0 : index
    %get3A_9 = arith.constant 0 : index
    %get3A_10 = vector.load %arg5[%get3A_8, %get3A_9] : memref<1000x128xf32, #tpu.memory_space<vmem>>, vector<1000x128xf32>
    %get3A_11 = arith.constant 0 : index
    %get3A_12 = arith.constant 0 : index
    %get3A_13 = vector.load %arg6[%get3A_11, %get3A_12] : memref<1000x1xf32, #tpu.memory_space<vmem>>, vector<1000x1xf32>
    %max3A_14 = arith.constant 1.000000e+00 : f32
    %max3A_15 = vector.broadcast %max3A_14 : f32 to vector<1000x1xf32>
    %max3A_16 = arith.maximumf %get3A_13, %max3A_15 : vector<1000x1xf32>
    %div3A_17 = vector.broadcast %max3A_16 : vector<1000x1xf32> to vector<1000x128xf32>
    %div3A_18 = arith.divf %get3A_10, %div3A_17 : vector<1000x128xf32>
    %get3A_19 = arith.constant 0 : index
    %get3A_20 = arith.constant 0 : index
    %get3A_21 = vector.load %arg1[%get3A_19, %get3A_20] : memref<1000x128xf32, #tpu.memory_space<vmem>>, vector<1000x128xf32>
    %get3A_22 = arith.constant 0 : index
    %get3A_23 = arith.constant 0 : index
    %get3A_24 = vector.load %arg7[%get3A_22, %get3A_23] : memref<128x128xf32, #tpu.memory_space<vmem>>, vector<128x128xf32>
    %transpose3A = tpu.transpose %get3A_24, [1, 0] : vector<128x128xf32> -> vector<128x128xf32>
    %dot_general3A = arith.constant dense<0.000000e+00> : vector<1000x128xf32>
    %dot_general3A_25 = tpu.matmul %get3A_21, %transpose3A, %dot_general3A {dimension_numbers = #tpu.dot_dimension_numbers<[1], [0], [0], [1], [0, 0, 1, 1], [], []>, transpose_lhs_hint = false} : vector<1000x128xf32>, vector<128x128xf32>, vector<1000x128xf32> -> vector<1000x128xf32>
    %get3A_26 = arith.constant 0 : index
    %get3A_27 = arith.constant 0 : index
    %get3A_28 = vector.load %arg12[%get3A_26, %get3A_27] : memref<128x128xf32, #tpu.memory_space<vmem>>, vector<128x128xf32>
    %transpose3A_29 = tpu.transpose %get3A_28, [1, 0] : vector<128x128xf32> -> vector<128x128xf32>
    %dot_general3A_30 = arith.constant dense<0.000000e+00> : vector<1000x128xf32>
    %dot_general3A_31 = tpu.matmul %div3A_18, %transpose3A_29, %dot_general3A_30 {dimension_numbers = #tpu.dot_dimension_numbers<[1], [0], [0], [1], [0, 0, 1, 1], [], []>, transpose_lhs_hint = false} : vector<1000x128xf32>, vector<128x128xf32>, vector<1000x128xf32> -> vector<1000x128xf32>
    %add3A = arith.addf %dot_general3A_25, %dot_general3A_31 : vector<1000x128xf32>
    %get3A_32 = arith.constant 0 : index
    %get3A_33 = arith.constant 0 : index
    %get3A_34 = vector.load %arg8[%get3A_32, %get3A_33] : memref<1x128xf32, #tpu.memory_space<vmem>>, vector<1x128xf32>
    %add3A_35 = vector.broadcast %get3A_34 : vector<1x128xf32> to vector<1000x128xf32>
    %add3A_36 = arith.addf %add3A, %add3A_35 : vector<1000x128xf32>
    %swap3A = arith.constant 0 : index
    %swap3A_37 = arith.constant 0 : index
    %swap3A_38 = vector.load %arg13[%swap3A, %swap3A_37] : memref<1000x128xf32, #tpu.memory_space<vmem>>, vector<1000x128xf32>
    tpu.vector_store %arg13[%swap3A, %swap3A_37], %add3A_36 {strides = array<i32>} : memref<1000x128xf32, #tpu.memory_space<vmem>>, vector<1000x128xf32>,
    %get3A_39 = arith.constant 0 : index
    %get3A_40 = arith.constant 0 : index
    %get3A_41 = vector.load %arg2[%get3A_39, %get3A_40] : memref<1000x128xf32, #tpu.memory_space<vmem>>, vector<1000x128xf32>
    %get3A_42 = arith.constant 0 : index
    %get3A_43 = arith.constant 0 : index
    %get3A_44 = vector.load %arg9[%get3A_42, %get3A_43] : memref<128x128xf32, #tpu.memory_space<vmem>>, vector<128x128xf32>
    %transpose3A_45 = tpu.transpose %get3A_44, [1, 0] : vector<128x128xf32> -> vector<128x128xf32>
    %dot_general3A_46 = arith.constant dense<0.000000e+00> : vector<1000x128xf32>
    %dot_general3A_47 = tpu.matmul %get3A_41, %transpose3A_45, %dot_general3A_46 {dimension_numbers = #tpu.dot_dimension_numbers<[1], [0], [0], [1], [0, 0, 1, 1], [], []>, transpose_lhs_hint = false} : vector<1000x128xf32>, vector<128x128xf32>, vector<1000x128xf32> -> vector<1000x128xf32>
    %get3A_48 = arith.constant 0 : index
    %get3A_49 = arith.constant 0 : index
    %get3A_50 = vector.load %arg11[%get3A_48, %get3A_49] : memref<128x128xf32, #tpu.memory_space<vmem>>, vector<128x128xf32>
    %transpose3A_51 = tpu.transpose %get3A_50, [1, 0] : vector<128x128xf32> -> vector<128x128xf32>
    %dot_general3A_52 = arith.constant dense<0.000000e+00> : vector<1000x128xf32>
    %dot_general3A_53 = tpu.matmul %div3A_7, %transpose3A_51, %dot_general3A_52 {dimension_numbers = #tpu.dot_dimension_numbers<[1], [0], [0], [1], [0, 0, 1, 1], [], []>, transpose_lhs_hint = false} : vector<1000x128xf32>, vector<128x128xf32>, vector<1000x128xf32> -> vector<1000x128xf32>
    %add3A_54 = arith.addf %dot_general3A_47, %dot_general3A_53 : vector<1000x128xf32>
    %get3A_55 = arith.constant 0 : index
    %get3A_56 = arith.constant 0 : index
    %get3A_57 = vector.load %arg10[%get3A_55, %get3A_56] : memref<1x128xf32, #tpu.memory_space<vmem>>, vector<1x128xf32>
    %add3A_58 = vector.broadcast %get3A_57 : vector<1x128xf32> to vector<1000x128xf32>
    %add3A_59 = arith.addf %add3A_54, %add3A_58 : vector<1000x128xf32>
    %swap3A_60 = arith.constant 0 : index
    %swap3A_61 = arith.constant 0 : index
    %swap3A_62 = vector.load %arg14[%swap3A_60, %swap3A_61] : memref<1000x128xf32, #tpu.memory_space<vmem>>, vector<1000x128xf32>
    tpu.vector_store %arg14[%swap3A_60, %swap3A_61], %add3A_59 {strides = array<i32>} : memref<1000x128xf32, #tpu.memory_space<vmem>>, vector<1000x128xf32>,
    return
  }
  func.func @transform_0(%arg0: i32) -> (i32, i32) {
    %c0_i32 = arith.constant 0 : i32
    %c0_i32_0 = arith.constant 0 : i32
    return %arg0, %c0_i32 : i32, i32
  }
  func.func @transform_1(%arg0: i32) -> (i32, i32) {
    %c0_i32 = arith.constant 0 : i32
    %c0_i32_0 = arith.constant 0 : i32
    return %arg0, %c0_i32 : i32, i32
  }
  func.func @transform_2(%arg0: i32) -> (i32, i32) {
    %c0_i32 = arith.constant 0 : i32
    %c0_i32_0 = arith.constant 0 : i32
    return %arg0, %c0_i32 : i32, i32
  }
  func.func @transform_3(%arg0: i32) -> (i32, i32) {
    %c0_i32 = arith.constant 0 : i32
    %c0_i32_0 = arith.constant 0 : i32
    return %arg0, %c0_i32 : i32, i32
  }
  func.func @transform_4(%arg0: i32) -> (i32, i32) {
    %c0_i32 = arith.constant 0 : i32
    %c0_i32_0 = arith.constant 0 : i32
    return %arg0, %c0_i32 : i32, i32
  }
  func.func @transform_5(%arg0: i32) -> (i32, i32) {
    %c0_i32 = arith.constant 0 : i32
    %c0_i32_0 = arith.constant 0 : i32
    return %arg0, %c0_i32 : i32, i32
  }
  func.func @transform_6(%arg0: i32) -> (i32, i32) {
    %c0_i32 = arith.constant 0 : i32
    %c0_i32_0 = arith.constant 0 : i32
    %c0_i32_1 = arith.constant 0 : i32
    return %c0_i32, %c0_i32_0 : i32, i32
  }
  func.func @transform_7(%arg0: i32) -> (i32, i32) {
    %c0_i32 = arith.constant 0 : i32
    %c0_i32_0 = arith.constant 0 : i32
    %c0_i32_1 = arith.constant 0 : i32
    return %c0_i32, %c0_i32_0 : i32, i32
  }
  func.func @transform_8(%arg0: i32) -> (i32, i32) {
    %c0_i32 = arith.constant 0 : i32
    %c0_i32_0 = arith.constant 0 : i32
    %c0_i32_1 = arith.constant 0 : i32
    return %c0_i32, %c0_i32_0 : i32, i32
  }
  func.func @transform_9(%arg0: i32) -> (i32, i32) {
    %c0_i32 = arith.constant 0 : i32
    %c0_i32_0 = arith.constant 0 : i32
    %c0_i32_1 = arith.constant 0 : i32
    return %c0_i32, %c0_i32_0 : i32, i32
  }
  func.func @transform_10(%arg0: i32) -> (i32, i32) {
    %c0_i32 = arith.constant 0 : i32
    %c0_i32_0 = arith.constant 0 : i32
    %c0_i32_1 = arith.constant 0 : i32
    return %c0_i32, %c0_i32_0 : i32, i32
  }
  func.func @transform_11(%arg0: i32) -> (i32, i32) {
    %c0_i32 = arith.constant 0 : i32
    %c0_i32_0 = arith.constant 0 : i32
    %c0_i32_1 = arith.constant 0 : i32
    return %c0_i32, %c0_i32_0 : i32, i32
  }
  func.func @transform_12(%arg0: i32) -> (i32, i32) {
    %c0_i32 = arith.constant 0 : i32
    %c0_i32_0 = arith.constant 0 : i32
    return %arg0, %c0_i32 : i32, i32
  }
  func.func @transform_13(%arg0: i32) -> (i32, i32) {
    %c0_i32 = arith.constant 0 : i32
    %c0_i32_0 = arith.constant 0 : i32
    return %arg0, %c0_i32 : i32, i32
  }
}

</mosaic_0001>

<sc_bundles>
// kernel: kernel.4.cloned.1.call-start
scs
__scs_entry_jumppad:
0x0: {  	(pc) =	sbr.rel $0x88, $3  }
0x1: {  	(tag) =	ssettag $0x0;
	lr =	simm.s32 $0x1  }
0x2: {  	[smem:$0x3F97] =	sst lr;
	_ =	strace $0xD0000000  }
0x3: {  	_ = 	snop  }
0x4: {  	_ = 	snop  }
0x5: {  	_ = 	snop  }
0x6: {  	_ = 	snop  }
0x7: {  	_ = 	snop  }
__scs_overlays_trampoline_lowered:
0x8: {  	[smem:$0x3FA6] =	sst s0  }
0x9: {  	[smem:$0x3FA7] =	sst s1  }
0xa: {  	[smem:$0x3FA8] =	sst s2  }
0xb: {  	[smem:$0x3FA9] =	sst s3  }
0xc: {  	[smem:$0x3FAA] =	sst s4  }
0xd: {  	[smem:$0x3FAB] =	sst s5  }
0xe: {  	[smem:$0x3FAC] =	sst s6  }
0xf: {  	[smem:$0x3FAD] =	sst s7  }
0x10: {  	[smem:$0x3FAE] =	sst s8  }
0x11: {  	[smem:$0x3FAF] =	sst s9;
	s0 =	simm.s32 @!p0 $0x0  }
0x12: {  	s1 =	sld [smem:$0x3F95];
	s0 =	simm.s32 @p0 $0x1  }
0x13: {  	[smem:$0x3FB0] =	sst s0;
	s0 =	simm.s32 @!p1 $0x0  }
0x14: {  	s2 =	sld [smem:$0x3F94];
	s0 =	simm.s32 @p1 $0x1  }
0x15: {  	[smem:$0x3FB1] =	sst s0;
	s0 =	simm.s32 @!p2 $0x0  }
0x16: {  	s3 =	sld [smem:$0x3FDB];
	s0 =	simm.s32 @p2 $0x1  }
0x17: {  	s4 =	simm.s32 $0x1BF5;
	[smem:$0x3FB3] =	sst s0  }
0x18: {  	s0 =	sld [smem:$0x3F96];
	_ =	swait.ge [sflag:s4], $0x0  }
0x19: {  	s7 =	sld [smem:$0x3F97]  }
0x1a: {  	s8 =	sadd.s32 $0xFFFFE003, lr  }
0x1b: {  	s9 =	sadd.s32 $0xFFFFFEF7, lr;
	s5 =	simm.s32 $0xFFFFFFFF;
	p2 =	slt.u32 s8, $0xFFFFF086  }
0x1c: {  	p1 =	slt.u32 s9, $0xF7A;
	s5 =	simm.s32 @!p2 $0x0  }
0x1d: {  	s5 =	simm.s32 @p1 $0x1;
	p0 =	seq.s32 s7, s2  }
0x1e: {  	s7 =	smul.u32 @!p0 $0xF7A, s2;
	p2 =	seq.s32 @!p0 s5, $0x0  }
0x1f: {  	s9 =	smul.u32 $0xF7A, s1;
	s8 =	simm.s32 @!p0 $0x1BF5;
	p2 =	por !p2, p0  }
0x20: {  	[sflag:s8] =	ssyncset.s32 @!p0 $0xFFFFF086;
	s6 =	sadd.s32 @!p0 s3, s7;
	s7 =	simm.s32 @!p0 $0x108  }
0x21: {  	s3 =	sadd.s32 s3, s9;
	s6 =	sadd.s32 @!p0 $0x88, s6;
	s7 =	simm.s32 @p2 $0x1082  }
0x22: {  	[simem:s7], [sflag:s8] =	dma.local @!p0 [hbm:s6], $0xF7A  }
0x23: {  	s9 =	sor.u32 $0xD0000000, s2;
	s6 =	simm.s32 $0x108;
	_ =	swait.ge @!p0 [sflag:s8], $0x0  }
0x24: {  	s3 =	sadd.s32 $0x88, s3;
	s6 =	simm.s32 @!p1 $0x1082;
	[sflag:s4] =	ssyncset.s32 $0xFFFFF086  }
0x25: {  	[simem:s6], [sflag:s4] =	dma.local [hbm:s3], $0xF7A  }
0x26: {  	[smem:$0x3F97] =	sst s1;
	(tag) =	ssettag s2;
	_ =	strace s9  }
0x27: {  	s1 =	sld [smem:$0x3FA7]  }
0x28: {  	s2 =	sld [smem:$0x3FA8]  }
0x29: {  	s4 =	sld [smem:$0x3FAA]  }
0x2a: {  	p0 =	seq.s32 s5, $0x0;
	s5 =	sld [smem:$0x3FAB]  }
0x2b: {  	s6 =	sld [smem:$0x3FAC]  }
0x2c: {  	s7 =	sld [smem:$0x3FAD]  }
0x2d: {  	s3 =	simm.s32 $0x108;
	s8 =	sld [smem:$0x3FAE]  }
0x2e: {  	s3 =	simm.s32 @!p0 $0x1082;
	s9 =	sld [smem:$0x3FAF]  }
0x2f: {  	lr =	sadd.s32 s0, s3;
	s0 =	sld [smem:$0x3FA6]  }
0x30: {  	s3 =	sld [smem:$0x3FA9]  }
0x31: {  	[smem:$0x3FB2] =	sst s10  }
0x32: {  	s10 =	sld [smem:$0x3FB0];
	_ =	sdelay $0x3  }
0x33: {  	p0 =	seq.s32 s10, $0x1;
	s10 =	sld [smem:$0x3FB2];
	_ =	sdelay $0x3  }
0x34: {  	[smem:$0x3FB2] =	sst s10  }
0x35: {  	s10 =	sld [smem:$0x3FB1];
	_ =	sdelay $0x3  }
0x36: {  	p1 =	seq.s32 s10, $0x1;
	s10 =	sld [smem:$0x3FB2];
	_ =	sdelay $0x3  }
0x37: {  	[smem:$0x3FB2] =	sst s10  }
0x38: {  	s10 =	sld [smem:$0x3FB3]  }
0x39: {  	_ = 	snop;
	(pc) =	sbr.ind lr, $3  }
0x3a: {  	_ = 	snop  }
0x3b: {  	_ = 	snop  }
0x3c: {  	p2 =	seq.s32 s10, $0x1;
	s10 =	sld [smem:$0x3FB2]  }
0x3d: {  	_ =	shalt  }
0x3e: {  	_ =	shalt  }
0x3f: {  	_ =	shalt  }
0x40: {  	_ =	shalt  }
0x41: {  	_ =	shalt  }
0x42: {  	_ =	shalt  }
0x43: {  	_ =	shalt  }
0x44: {  	_ =	shalt  }
0x45: {  	_ =	shalt  }
0x46: {  	_ =	shalt  }
0x47: {  	_ =	shalt  }
0x48: {  	_ =	shalt  }
0x49: {  	_ =	shalt  }
0x4a: {  	_ =	shalt  }
0x4b: {  	_ =	shalt  }
0x4c: {  	_ =	shalt  }
0x4d: {  	_ =	shalt  }
0x4e: {  	_ =	shalt  }
0x4f: {  	_ =	shalt  }
0x50: {  	_ =	shalt  }
0x51: {  	_ =	shalt  }
0x52: {  	_ =	shalt  }
0x53: {  	_ =	shalt  }
0x54: {  	_ =	shalt  }
0x55: {  	_ =	shalt  }
0x56: {  	_ =	shalt  }
0x57: {  	_ =	shalt  }
0x58: {  	_ =	shalt  }
0x59: {  	_ =	shalt  }
0x5a: {  	_ =	shalt  }
0x5b: {  	_ =	shalt  }
0x5c: {  	_ =	shalt  }
0x5d: {  	_ =	shalt  }
0x5e: {  	_ =	shalt  }
0x5f: {  	_ =	shalt  }
0x60: {  	_ =	shalt  }
0x61: {  	_ =	shalt  }
0x62: {  	_ =	shalt  }
0x63: {  	_ =	shalt  }
0x64: {  	_ =	shalt  }
0x65: {  	_ =	shalt  }
0x66: {  	_ =	shalt  }
0x67: {  	_ =	shalt  }
0x68: {  	_ =	shalt  }
0x69: {  	_ =	shalt  }
0x6a: {  	_ =	shalt  }
0x6b: {  	_ =	shalt  }
0x6c: {  	_ =	shalt  }
0x6d: {  	_ =	shalt  }
0x6e: {  	_ =	shalt  }
0x6f: {  	_ =	shalt  }
0x70: {  	_ =	shalt  }
0x71: {  	_ =	shalt  }
0x72: {  	_ =	shalt  }
0x73: {  	_ =	shalt  }
0x74: {  	_ =	shalt  }
0x75: {  	_ =	shalt  }
0x76: {  	_ =	shalt  }
0x77: {  	_ =	shalt  }
0x78: {  	_ =	shalt  }
0x79: {  	_ =	shalt  }
0x7a: {  	_ =	shalt  }
0x7b: {  	_ =	shalt  }
0x7c: {  	_ =	shalt  }
0x7d: {  	_ =	shalt  }
0x7e: {  	_ =	shalt  }
0x7f: {  	_ =	shalt  }
0x80: {  	_ =	shalt  }
0x81: {  	_ =	shalt  }
0x82: {  	_ =	shalt  }
0x83: {  	_ =	shalt  }
0x84: {  	_ =	shalt  }
0x85: {  	_ =	shalt  }
0x86: {  	_ =	shalt  }
0x87: {  	_ =	shalt  }
.Lfunc_end0:
.L_simem_size_0:
called_computation_lowered:
.L_overlay_start_0:
0x88: {  	s2 =	sld [smem:$0x3FD9]  }
0x89: {  	s3 =	sld [smem:$0x3FFE];
	_ =	sdelay $0x1  }
0x8a: {  	s1 =	srdreg.scid  }
0x8b: {  	s0 =	sand.u32 $0x1, s1  }
0x8c: {  	s14 =	sshll.u32 s0, $0xA;
	s2 =	sadd.s32 s3, s2  }
0x8d: {  	s2 =	sadd.s32 s2, s14  }
0x8e: {  	[smem:$0x3FBE] =	sst s2  }
0x8f: {  	_ = 	snop  }
0x90: {  	s2 =	sld [smem:$0x3FD0];
	_ =	sdelay $0x2  }
0x91: {  	s15 =	simm.s32 $0xA;
	s4 =	simm.s32 $0x10  }
0x92: {  	[smem:s4], [sflag:s15] =	dma.local [hbm:s2], $0x1  }
0x93: {  	_ =	swait.eq [sflag:s15], $0x1  }
0x94: {  	[sflag:s15] =	ssyncset.done $0x0  }
0x95: {  	s16 =	sld [smem:$0x10];
	[sflag:s15] =	ssyncadd.s32 $0xFFFFFFFF  }
0x96: {  	s17 =	sld [smem:$0x11];
	(tm) =	ssettm $0x1  }
0x97: {  	s18 =	sld [smem:$0x3FFB];
	_ =	sdelay $0x3  }
0x98: {  	_ =	strace s18  }
0x99: {  	s4 =	sld [smem:$0x3FFC];
	_ =	sdelay $0x3  }
0x9a: {  	_ =	strace s4  }
0x9b: {  	s4 =	sld [smem:$0x3FFD];
	_ =	sdelay $0x3  }
0x9c: {  	_ =	strace s4  }
0x9d: {  	_ =	strace $0x8FFFFFFF  }
0x9e: {  	s19 =	sld [smem:$0x3FDB];
	_ =	sdelay $0x1  }
0x9f: {  	s5 =	simm.s32 $_scs_section_size  }
0xa0: {  	s6 =	simm.s32 $_size__tile_overlayer_lowered;
	s7 =	simm.s32 $_tile_overlayer_lowered  }
0xa1: {  	s22 =	simm.s32 $0x1BFF;
	s21 =	sshll.u32 s7, $0x1;
	s4 =	sadd.s32 s5, s19  }
0xa2: {  	s8 =	simm.s32 $0x0;
	s20 =	sshll.u32 s6, $0x1;
	s6 =	sadd.s32 s21, s4  }
0xa3: {  	[timem:s8], [sflag:s22] =	dma.local [hbm:s6], s20  }
0xa4: {  	_ =	swait.ge [sflag:s22], s20  }
0xa5: {  	s5 =	ssub.s32 $0x0, s20;
	[sflag:s22] =	ssyncset.done $0x0  }
0xa6: {  	[sflag:s22] =	ssyncadd.s32 s5;
	_ =	sdelay $0x1  }
0xa7: {  	s23 =	simm.s32 $0x1B8B  }
0xa8: {  	_ =	swait.ge [sflag:s23], $0x1  }
0xa9: {  	[sflag:s23] =	ssyncset.done $0x0  }
0xaa: {  	s25 =	simm.s32 $0x1B8E;
	s24 =	sld [smem:$0x3FFE];
	[sflag:s23] =	ssyncadd.s32 $0xFFFFFFFF  }
0xab: {  	s26 =	simm.s32 $execute0_lowered;
	[smem:$0x3FD2] =	sst s25  }
0xac: {  	s6 =	sshll.u32 s26, $0x1;
	_ =	strace $0x80000046;
	[dreg:$0x1] =	wrdreg $0xFFFFFFFF  }
0xad: {  	s28 =	simm.s32 $_size_execute0_lowered;
	s4 =	sadd.s32 s4, s6;
	[dreg:$0x0] =	wrdreg $0x0  }
0xae: {  	s6 =	sshll.u32 s28, $0x1;
	[dreg:$0x2] =	wrdreg s4  }
0xaf: {  	[dreg:$0x3] =	wrdreg s6  }
0xb0: {  	[dreg:$0x4] =	wrdreg $0xC0  }
0xb1: {  	_ =	task [dreg:s8], $0x5FFFF  }
0xb2: {  	[dreg:$0x1] =	wrdreg $0xFFFFFFFF  }
0xb3: {  	[dreg:$0x0] =	wrdreg $0x60  }
0xb4: {  	[dreg:$0x2] =	wrdreg s24  }
0xb5: {  	[dreg:$0x3] =	wrdreg s17  }
0xb6: {  	[dreg:$0x4] =	wrdreg s16  }
0xb7: {  	[dreg:$0x5] =	wrdreg $0x0  }
0xb8: {  	[dreg:$0x6] =	wrdreg $0xA0400  }
0xb9: {  	[dreg:$0x7] =	wrdreg $0x9  }
0xba: {  	_ =	task.clear_ibuf [dreg:s8], $0x8FFFF;
	_ =	strace $0x90000046  }
0xbb: {  	s29 =	simm.s32 $0x9;
	_ =	strace $0x80000048  }
0xbc: {  	_ =	swait.ge [sflag:s29], $0x1  }
0xbd: {  	[sflag:s29] =	ssyncadd.s32 $0xFFFFFFFF  }
0xbe: {  	_ =	strace $0x90000048  }
0xbf: {  	_ =	sfence  }
0xc0: {  	s30 =	sld [smem:$0x0];
	_ =	sdelay $0x2  }
0xc1: {  	s31 =	sshll.u32 s1, $0xD;
	s1 =	sshrl.u32 s1, $0x2  }
0xc2: {  	s3 =	sand.u32 $0x4000, s31;
	s1 =	sadd.s32 s1, s30  }
0xc3: {  	s0 =	sor.u32 s3, s0;
	s1 =	sshll.u32 s1, $0x11  }
0xc4: {  	s0 =	sor.u32 s1, s0  }
0xc5: {  	s0 =	sadd.s32 $0x8F2B, s0  }
0xc6: {  	[sflag:s0] =	ssyncadd.remote.s32 $0x1  }
0xc7: {  	_ =	sfence.sel $0xFFFF  }
0xc8: {  	[dreg:$0x0] =	wrdreg $0xFFFFFFFF;
	(pc) =	sbr.abs _section_cstart, $3  }
0xc9: {  	[dreg:$0x1] =	wrdreg $0xFFFFFFFF  }
0xca: {  	_ =	task.clear_ibuf [dreg:s8], $0x2FFFF;
	_ =	strace $0x9FFFFFFF  }
0xcb: {  	(tm) =	ssettm $0x7FFFFFFF  }
tec
execute0_lowered:
.L_overlay_start_1:
0x0: {  	(tag) =	ssettag $0x1  }
0x1: {  	s0 =	rddreg [dreg:$0x0]  }
0x2: {  	s1 =	rddreg [dreg:$0x1]  }
0x3: {  	s2 =	rddreg [dreg:$0x2]  }
0x4: {  	s3 =	rddreg [dreg:$0x3]  }
0x5: {  	s4 =	rddreg [dreg:$0x4]  }
0x6: {  	s5 =	simm.s32 $0x0;
	s6 =	srdreg.scid;
	s16 =	stileid.u32  }
0x7: {  	s28 =	simm.s32 $0x14100;
	s29 =	simm.s32 $0x50;
	s30 =	simm.s32 $0x14180  }
0x8: {  	s31 =	simm.s32 $0x16980;
	[smem:$0x7FF] =	sst s5;
	s24 =	smul.u32 $0x140, s16  }
0x9: {  	s6 =	sand.u32 $0x1, s6;
	s7 =	sadd.s32 $0xE00, s0;
	s13 =	smul.u32 $0x4E20, s16  }
0xa: {  	s23 =	sadd.s32 $0x4F600, s0;
	s10 =	sadd.s32 $0x4F000, s0;
	s15 =	smul.u32 $0xA000, s16  }
0xb: {  	s11 =	sadd.s32 $0x50A00, s0;
	s0 =	sadd.s32 $0xA0A00, s0;
	s8 =	smul.u32 $0x4E200, s6  }
0xc: {  	_ =	strace $0x80000047;
	s9 =	smul.u32 $0x2710, s6;
	[dreg:$0x7] =	wrdreg s10  }
0xd: {  	s12 =	ssub.s32 $0x2, s6;
	s6 =	smul.u32 $0x2800, s6;
	s10 =	simm.s32 $0x2  }
0xe: {  	[dreg:$0x6] =	wrdreg s23;
	s14 =	sshrl.u32 s12, $0x1;
	s25 =	sadd.s32 s15, s3  }
0xf: {  	s15 =	sadd.s32 s15, s4;
	s12 =	ssub.s32 s12, s14;
	[dreg:$0x8] =	wrdreg s25  }
0x10: {  	s8 =	sadd.s32 s13, s8;
	s13 =	smul.u32 $0xFA, s16;
	[dreg:$0x9] =	wrdreg s15  }
0x11: {  	s6 =	sadd.s32 s24, s6;
	v0 =	vmov s9;
	s9 =	simm.s32 $0x1;
	s26 =	sshrl.u32 s8, $0x3  }
0x12: {  	s6 =	sshll.u32 s6, $0x4;
	s20 =	sadd.s32 $0x50, s8;
	s24 =	smax.u32 s12, $0x1  }
0x13: {  	s25 =	sadd.s32 $0xA0, s8;
	s16 =	sadd.s32 s1, s26;
	[dreg:$0x10] =	wrdreg s24  }
0x14: {  	s17 =	sadd.s32 s2, s26;
	s14 =	sadd.s32 $0xFA, s13;
	[dreg:$0x11] =	wrdreg s25  }
0x15: {  	s18 =	sadd.s32 s11, s6;
	s19 =	sadd.s32 $0x14000, s6;
	[dreg:$0xa] =	wrdreg s16  }
0x16: {  	s6 =	sadd.s32 s0, s6;
	s22 =	sshrl.u32 s20, $0x3;
	[dreg:$0xb] =	wrdreg s17  }
0x17: {  	s26 =	sadd.s32 $0x2, s13;
	s24 =	simm.s32 $0x19280;
	[dreg:$0xc] =	wrdreg s18  }
0x18: {  	s25 =	simm.s32 $0x3;
	[dreg:$0xd] =	wrdreg s6;
	s21 =	sadd.s32 s11, s19  }
0x19: {  	s0 =	sadd.s32 s0, s19;
	s20 =	sadd.s32 s22, s2;
	[dreg:$0x12] =	wrdreg s26  }
0x1a: {  	s6 =	simm.s32 $0x16A80;
	s11 =	simm.s32 $0x0;
	[dreg:$0xe] =	wrdreg s21  }
0x1b: {  	[dreg:$0xf] =	wrdreg s0;
	s21 =	sadd.s32 s22, s1;
	s0 =	simm.s32 $0x16A00  }
.LBB2_1:
0x1c: {  	s8 =	rddreg [dreg:$0x7]  }
0x1d: {  	[tilespmem:s24], [sflag:$0x3] =	stream.linear.gather [hbm4b:s8+s5], $0x2800, $0x38;
	[tilespmem:$0x1BA80] =	vst v63  }
0x1e: {  	s16 =	stileid.u32;
	_ =	swait.ge [sflag:s25], $0x2800  }
0x1f: {  	s8 =	sshll.u32 s16, $0x6;
	s17 =	rddreg [dreg:$0x8]  }
0x20: {  	s15 =	sor.u32 $0x1C03, s8;
	[sflag:s25] =	ssyncset.done $0x0;
	s8 =	sshrl.u32 s17, $0x3  }
0x21: {  	[sflag:s25] =	ssyncadd.s32 $0xFFFFD800;
	[dreg:$0x13] =	wrdreg s8  }
0x22: {  	[spmem:s8], [sflag:s15] =	dma.local [hbm:s23], $0x1400  }
0x23: {  	_ =	swait.ge [sflag:s25], $0x1400  }
0x24: {  	[sflag:s25] =	ssyncset.done $0x0;
	s18 =	rddreg [dreg:$0x9]  }
0x25: {  	[sflag:s25] =	ssyncadd.s32 $0xFFFFEC00;
	s17 =	sshrl.u32 s18, $0x3  }
0x26: {  	[spmem:s17], [sflag:s15] =	dma.local [hbm:s23], $0x1400  }
0x27: {  	_ =	swait.ge [sflag:s25], $0x1400  }
0x28: {  	[sflag:s25] =	ssyncset.done $0x0  }
0x29: {  	[sflag:s25] =	ssyncadd.s32 $0xFFFFEC00  }
0x2a: {  	[bflag:$0x0] =	sbarrier.arrive $0xFFFF  }
0x2b: {  	s12 =	simm.s32 $0x14080;
	s19 =	rddreg [dreg:$0xa]  }
0x2c: {  	[tilespmem:s12], [sflag:$0x3] =	stream.linear.gather [hbm4b:s19+s5], $0x50, $0x38;
	[tilespmem:$0x1BA80] =	vst v63  }
0x2d: {  	_ =	swait.ge [sflag:s25], $0x50  }
0x2e: {  	[sflag:s25] =	ssyncset.done $0x0  }
0x2f: {  	s22 =	rddreg [dreg:$0xb];
	[sflag:s25] =	ssyncadd.s32 $0xFFFFFFB0  }
0x30: {  	[tilespmem:s28], [sflag:$0x3] =	stream.linear.gather [hbm4b:s22+s5], $0x50, $0x38;
	[tilespmem:$0x1BA80] =	vst v63  }
0x31: {  	_ =	swait.ge [sflag:s25], $0x50  }
0x32: {  	[sflag:s25] =	ssyncset.done $0x0  }
0x33: {  	[sflag:s25] =	ssyncadd.s32 $0xFFFFFFB0  }
0x34: {  	v1 =	vld [tilespmem:$0x14080]  }
0x35: {  	v2 =	vld [tilespmem:$0x14090]  }
0x36: {  	v3 =	vld [tilespmem:$0x140A0]  }
0x37: {  	v4 =	vld [tilespmem:$0x140B0]  }
0x38: {  	v5 =	vld [tilespmem:$0x140C0]  }
0x39: {  	v1 =	vadd.s32 v0, v1  }
0x3a: {  	[tilespmem:$0x14080] =	vst v1;
	v1 =	vadd.s32 v0, v2  }
0x3b: {  	[tilespmem:$0x14090] =	vst v1;
	v1 =	vadd.s32 v0, v3  }
0x3c: {  	[tilespmem:$0x140A0] =	vst v1;
	v1 =	vadd.s32 v0, v4  }
0x3d: {  	[tilespmem:$0x140B0] =	vst v1;
	v1 =	vadd.s32 v0, v5  }
0x3e: {  	[tilespmem:$0x140C0] =	vst v1  }
0x3f: {  	[tilespmem:s30], [sflag:$0x1] =	stream.indirect.gather [hbm4b:s7+s29], $0x80, s12, s29, $0xb8;
	[tilespmem:$0x1BA80] =	vst v63  }
0x40: {  	s23 =	sadd.s32 $0x0, s21  }
0x41: {  	[tilespmem:s31], [sflag:$0x3] =	stream.linear.gather [hbm4b:s23+s5], $0x50, $0x38;
	[tilespmem:$0x1BA80] =	vst v63  }
0x42: {  	_ =	swait.ge [sflag:s25], $0x50  }
0x43: {  	[sflag:s25] =	ssyncset.done $0x0  }
0x44: {  	s26 =	sadd.s32 $0x0, s20;
	[sflag:s25] =	ssyncadd.s32 $0xFFFFFFB0  }
0x45: {  	[tilespmem:s0], [sflag:$0x3] =	stream.linear.gather [hbm4b:s26+s5], $0x50, $0x38;
	[tilespmem:$0x1BA80] =	vst v63  }
0x46: {  	_ =	swait.ge [sflag:s25], $0x50  }
0x47: {  	[sflag:s25] =	ssyncset.done $0x0  }
0x48: {  	[sflag:s25] =	ssyncadd.s32 $0xFFFFFFB0  }
0x49: {  	v1 =	vld [tilespmem:$0x169C0]  }
0x4a: {  	v2 =	vld [tilespmem:$0x169B0]  }
0x4b: {  	v3 =	vld [tilespmem:$0x169A0]  }
0x4c: {  	v4 =	vld [tilespmem:$0x16990]  }
0x4d: {  	v5 =	vld [tilespmem:$0x16980]  }
0x4e: {  	v1 =	vadd.s32 v0, v1  }
0x4f: {  	v2 =	vadd.s32 v0, v2;
	[tilespmem:$0x169C0] =	vst v1  }
0x50: {  	[tilespmem:$0x169B0] =	vst v2;
	v1 =	vadd.s32 v0, v3  }
0x51: {  	v2 =	vadd.s32 v0, v4;
	[tilespmem:$0x169A0] =	vst v1  }
0x52: {  	v1 =	vadd.s32 v0, v5;
	[tilespmem:$0x16990] =	vst v2  }
0x53: {  	[tilespmem:$0x16980] =	vst v1  }
0x54: {  	[tilespmem:s6], [sflag:$0x2] =	stream.indirect.gather [hbm4b:s7+s29], $0x80, s31, s29, $0xb8;
	[tilespmem:$0x1BA80] =	vst v63  }
0x55: {  	_ =	swait.ge [sflag:s9], $0x2800  }
0x56: {  	[sflag:s9] =	ssyncset.done $0x0  }
0x57: {  	[sflag:s9] =	ssyncadd.s32 $0xFFFFD800  }
0x58: {  	v1 =	vld [tilespmem:$0x14130]  }
0x59: {  	v2 =	vld [tilespmem:$0x14140]  }
0x5a: {  	v3 =	vld [tilespmem:$0x14100]  }
0x5b: {  	v4 =	vld [tilespmem:$0x14110]  }
0x5c: {  	v5 =	vld [tilespmem:$0x14120]  }
0x5d: {  	vm0 =	vlt.s32 v1, $0x1400  }
0x5e: {  	vm13 =	vlt.s32 v2, $0x1400;
	v1 =	vnsel vm0, $0x1400, v1  }
0x5f: {  	vm1 =	vlt.s32 v3, $0x1400;
	[tilespmem:$0x14130] =	vst v1;
	v1 =	vnsel vm13, $0x1400, v2  }
0x60: {  	vm14 =	vlt.s32 v4, $0x1400;
	v2 =	vnsel vm1, $0x1400, v3;
	[tilespmem:$0x14140] =	vst v1  }
0x61: {  	vm15 =	vlt.s32 v5, $0x1400;
	[tilespmem:$0x14100] =	vst v2;
	v1 =	vnsel vm14, $0x1400, v4  }
0x62: {  	[tilespmem:$0x14110] =	vst v1;
	v1 =	vnsel vm15, $0x1400, v5  }
0x63: {  	[tilespmem:$0x14120] =	vst v1  }
0x64: {  	[spmem:s3] =	stream.indirect.scatter.add.f32 [tilespmem:s30], [sflag:$0x3], $0x80, s28, s29, $0xb8;
	[tilespmem:$0x1BA80] =	vst v63  }
0x65: {  	_ =	swait.ge [sflag:s25], $0x2800  }
0x66: {  	[sflag:s25] =	ssyncset.done $0x0;
	s16 =	rddreg [dreg:$0x12]  }
0x67: {  	s12 =	rddreg [dreg:$0x11];
	p1 =	sge.u32 s16, s14;
	[sflag:s25] =	ssyncadd.s32 $0xFFFFD800  }
0x68: {  	[spmem:s4] =	stream.indirect.scatter.add.f32 [tilespmem:s24], [sflag:$0x3], $0x80, s28, s29, $0xb8;
	[tilespmem:$0x1BA80] =	vst v63  }
0x69: {  	s8 =	sshrl.u32 @!p1 s12, $0x3;
	_ =	swait.ge [sflag:s25], $0x2800  }
0x6a: {  	s13 =	simm.s32 @!p1 $0x14080;
	s19 =	simm.s32 @!p1 $0x3;
	[sflag:s25] =	ssyncset.done $0x0  }
0x6b: {  	s22 =	simm.s32 @!p1 $0x0;
	s18 =	sadd.s32 @!p1 s1, s8;
	[sflag:s25] =	ssyncadd.s32 $0xFFFFD800  }
0x6c: {  	[tilespmem:s13], [sflag:$0x3] =	stream.linear.gather @!p1 [hbm4b:s18+s22], $0x50, $0x38;
	[tilespmem:$0x1BA80] =	vst v63  }
0x6d: {  	_ =	swait.ge @!p1 [sflag:s19], $0x50  }
0x6e: {  	[sflag:s19] =	ssyncset.done @!p1 $0x0  }
0x6f: {  	s8 =	sadd.s32 @!p1 s2, s8;
	s18 =	simm.s32 @!p1 $0x14100;
	[sflag:s19] =	ssyncadd.s32 @!p1 $0xFFFFFFB0  }
0x70: {  	[tilespmem:s18], [sflag:$0x3] =	stream.linear.gather @!p1 [hbm4b:s8+s22], $0x50, $0x38;
	[tilespmem:$0x1BA80] =	vst v63  }
0x71: {  	_ =	swait.ge @!p1 [sflag:s19], $0x50  }
0x72: {  	[sflag:s19] =	ssyncset.done @!p1 $0x0  }
0x73: {  	[sflag:s19] =	ssyncadd.s32 @!p1 $0xFFFFFFB0  }
0x74: {  	v1 =	vld @!p1 [tilespmem:$0x14080];
	_ =	sdelay $0x1  }
0x75: {  	v3 =	vld @!p1 [tilespmem:$0x140B0]  }
0x76: {  	v4 =	vld @!p1 [tilespmem:$0x14090];
	_ =	sdelay $0x1  }
0x77: {  	v2 =	vld @!p1 [tilespmem:$0x140C0];
	v1 =	vadd.s32 @!p1 v0, v1  }
0x78: {  	[tilespmem:$0x14080] =	vst @!p1 v1;
	v1 =	vld @!p1 [tilespmem:$0x140A0]  }
0x79: {  	v5 =	vadd.s32 @!p1 v0, v3  }
0x7a: {  	s18 =	simm.s32 $0x14;
	s22 =	smov.u32 s16;
	s19 =	smov.u32 s12;
	v3 =	vadd.s32 @!p1 v0, v4;
	[tilespmem:$0x140B0] =	vst @!p1 v5  }
.LBB2_2:
0x7b: {  	s19 =	sadd.s32 $0xA0, s19  }
0x7c: {  	[tilespmem:$0x14090] =	vst @!p1 v3;
	v2 =	vadd.s32 @!p1 v0, v2;
	s22 =	sadd.s32 $0x2, s22;
	s26 =	smov.u32 s18;
	s18 =	sadd.s32 $0x14, s18  }
0x7d: {  	p0 =	sne.s32 s18, $0x9C4;
	v1 =	vadd.s32 @!p1 v0, v1;
	[tilespmem:$0x140C0] =	vst @!p1 v2  }
0x7e: {  	s8 =	simm.s32 @!p1 $0x50;
	s12 =	simm.s32 @!p1 $0x14180;
	[tilespmem:$0x140A0] =	vst @!p1 v1  }
0x7f: {  	[tilespmem:s12], [sflag:$0x1] =	stream.indirect.gather @!p1 [hbm4b:s7+s8], $0x80, s13, s8, $0xb8;
	[tilespmem:$0x1BA80] =	vst v63  }
0x80: {  	_ =	swait.ge [sflag:s10], $0x2800  }
0x81: {  	[sflag:s10] =	ssyncset.done $0x0  }
0x82: {  	[sflag:s10] =	ssyncadd.s32 $0xFFFFD800  }
0x83: {  	v1 =	vld [tilespmem:$0x16A00]  }
0x84: {  	v2 =	vld [tilespmem:$0x16A10]  }
0x85: {  	v3 =	vld [tilespmem:$0x16A20]  }
0x86: {  	v4 =	vld [tilespmem:$0x16A30]  }
0x87: {  	v5 =	vld [tilespmem:$0x16A40]  }
0x88: {  	vm0 =	vlt.s32 v1, $0x1400  }
0x89: {  	v1 =	vnsel vm0, $0x1400, v1;
	vm0 =	vlt.s32 v2, $0x1400  }
0x8a: {  	[tilespmem:$0x16A00] =	vst v1;
	v1 =	vnsel vm0, $0x1400, v2;
	vm0 =	vlt.s32 v3, $0x1400  }
0x8b: {  	[tilespmem:$0x16A10] =	vst v1;
	v1 =	vnsel vm0, $0x1400, v3;
	vm0 =	vlt.s32 v4, $0x1400  }
0x8c: {  	[tilespmem:$0x16A20] =	vst v1;
	v1 =	vnsel vm0, $0x1400, v4;
	vm0 =	vlt.s32 v5, $0x1400  }
0x8d: {  	[tilespmem:$0x16A30] =	vst v1;
	v1 =	vnsel vm0, $0x1400, v5  }
0x8e: {  	[tilespmem:$0x16A40] =	vst v1  }
0x8f: {  	[spmem:s3] =	stream.indirect.scatter.add.f32 [tilespmem:s6], [sflag:$0x3], $0x80, s0, s29, $0xb8;
	[tilespmem:$0x1BA80] =	vst v63  }
0x90: {  	_ =	swait.ge [sflag:s25], $0x2800  }
0x91: {  	[sflag:s25] =	ssyncset.done $0x0  }
0x92: {  	[sflag:s25] =	ssyncadd.s32 $0xFFFFD800  }
0x93: {  	[spmem:s4] =	stream.indirect.scatter.add.f32 [tilespmem:s24], [sflag:$0x3], $0x80, s0, s29, $0xb8;
	[tilespmem:$0x1BA80] =	vst v63  }
0x94: {  	_ =	swait.ge [sflag:s25], $0x2800  }
0x95: {  	[sflag:s25] =	ssyncset.done $0x0  }
0x96: {  	s8 =	sadd.s32 s26, s21;
	[sflag:s25] =	ssyncadd.s32 $0xFFFFD800  }
0x97: {  	[tilespmem:s31], [sflag:$0x3] =	stream.linear.gather [hbm4b:s8+s5], $0x50, $0x38;
	[tilespmem:$0x1BA80] =	vst v63  }
0x98: {  	_ =	swait.ge [sflag:s25], $0x50  }
0x99: {  	[sflag:s25] =	ssyncset.done $0x0  }
0x9a: {  	s8 =	sadd.s32 s26, s20;
	[sflag:s25] =	ssyncadd.s32 $0xFFFFFFB0  }
0x9b: {  	[tilespmem:s0], [sflag:$0x3] =	stream.linear.gather [hbm4b:s8+s5], $0x50, $0x38;
	[tilespmem:$0x1BA80] =	vst v63  }
0x9c: {  	_ =	swait.ge [sflag:s25], $0x50  }
0x9d: {  	[sflag:s25] =	ssyncset.done $0x0  }
0x9e: {  	[sflag:s25] =	ssyncadd.s32 $0xFFFFFFB0  }
0x9f: {  	v1 =	vld [tilespmem:$0x169C0]  }
0xa0: {  	v2 =	vld [tilespmem:$0x169B0]  }
0xa1: {  	v3 =	vld [tilespmem:$0x16980]  }
0xa2: {  	v4 =	vld [tilespmem:$0x169A0]  }
0xa3: {  	v5 =	vld [tilespmem:$0x16990]  }
0xa4: {  	v1 =	vadd.s32 v0, v1  }
0xa5: {  	v2 =	vadd.s32 v0, v2;
	[tilespmem:$0x169C0] =	vst v1  }
0xa6: {  	[tilespmem:$0x169B0] =	vst v2  }
0xa7: {  	v1 =	vadd.s32 v0, v3;
	v2 =	vadd.s32 v0, v4  }
0xa8: {  	v3 =	vadd.s32 v0, v5;
	[tilespmem:$0x169A0] =	vst v2  }
0xa9: {  	[tilespmem:$0x16990] =	vst v3  }
0xaa: {  	[tilespmem:$0x16980] =	vst v1  }
0xab: {  	[tilespmem:s6], [sflag:$0x2] =	stream.indirect.gather [hbm4b:s7+s29], $0x80, s31, s29, $0xb8;
	[tilespmem:$0x1BA80] =	vst v63  }
0xac: {  	_ =	swait.ge [sflag:s9], $0x2800  }
0xad: {  	[sflag:s9] =	ssyncset.done $0x0  }
0xae: {  	[sflag:s9] =	ssyncadd.s32 $0xFFFFD800  }
0xaf: {  	v1 =	vld [tilespmem:$0x14130]  }
0xb0: {  	v2 =	vld [tilespmem:$0x14140]  }
0xb1: {  	v3 =	vld [tilespmem:$0x14100]  }
0xb2: {  	v4 =	vld [tilespmem:$0x14110]  }
0xb3: {  	v5 =	vld [tilespmem:$0x14120]  }
0xb4: {  	vm0 =	vlt.s32 v1, $0x1400  }
0xb5: {  	v1 =	vnsel vm0, $0x1400, v1;
	vm0 =	vlt.s32 v2, $0x1400  }
0xb6: {  	vm1 =	vlt.s32 v3, $0x1400;
	[tilespmem:$0x14130] =	vst v1;
	v1 =	vnsel vm0, $0x1400, v2  }
0xb7: {  	p1 =	sge.u32 s22, s14;
	v2 =	vnsel vm1, $0x1400, v3;
	vm0 =	vlt.s32 v4, $0x1400;
	[tilespmem:$0x14140] =	vst v1  }
0xb8: {  	s8 =	sshrl.u32 @!p1 s19, $0x3;
	[tilespmem:$0x14100] =	vst v2;
	v1 =	vnsel vm0, $0x1400, v4;
	vm0 =	vlt.s32 v5, $0x1400  }
0xb9: {  	[tilespmem:$0x14110] =	vst v1;
	v1 =	vnsel vm0, $0x1400, v5  }
0xba: {  	[tilespmem:$0x14120] =	vst v1  }
0xbb: {  	[spmem:s3] =	stream.indirect.scatter.add.f32 [tilespmem:s30], [sflag:$0x3], $0x80, s28, s29, $0xb8;
	[tilespmem:$0x1BA80] =	vst v63  }
0xbc: {  	_ =	swait.ge [sflag:s25], $0x2800  }
0xbd: {  	[sflag:s25] =	ssyncset.done $0x0  }
0xbe: {  	s26 =	simm.s32 @!p1 $0x14100;
	s12 =	sadd.s32 @!p1 s1, s8;
	[sflag:s25] =	ssyncadd.s32 $0xFFFFD800  }
0xbf: {  	[spmem:s4] =	stream.indirect.scatter.add.f32 [tilespmem:s24], [sflag:$0x3], $0x80, s28, s29, $0xb8;
	[tilespmem:$0x1BA80] =	vst v63  }
0xc0: {  	_ =	swait.ge [sflag:s25], $0x2800  }
0xc1: {  	s13 =	simm.s32 @!p1 $0x14080;
	s23 =	simm.s32 @!p1 $0x3;
	[sflag:s25] =	ssyncset.done $0x0  }
0xc2: {  	s16 =	simm.s32 @!p1 $0x0;
	s8 =	sadd.s32 @!p1 s2, s8;
	[sflag:s25] =	ssyncadd.s32 $0xFFFFD800  }
0xc3: {  	[tilespmem:s13], [sflag:$0x3] =	stream.linear.gather @!p1 [hbm4b:s12+s16], $0x50, $0x38;
	[tilespmem:$0x1BA80] =	vst v63  }
0xc4: {  	_ =	swait.ge @!p1 [sflag:s23], $0x50  }
0xc5: {  	[sflag:s23] =	ssyncset.done @!p1 $0x0  }
0xc6: {  	[sflag:s23] =	ssyncadd.s32 @!p1 $0xFFFFFFB0  }
0xc7: {  	[tilespmem:s26], [sflag:$0x3] =	stream.linear.gather @!p1 [hbm4b:s8+s16], $0x50, $0x38;
	[tilespmem:$0x1BA80] =	vst v63  }
0xc8: {  	_ =	swait.ge @!p1 [sflag:s23], $0x50  }
0xc9: {  	[sflag:s23] =	ssyncset.done @!p1 $0x0  }
0xca: {  	[sflag:s23] =	ssyncadd.s32 @!p1 $0xFFFFFFB0  }
0xcb: {  	v3 =	vld @!p1 [tilespmem:$0x14080]  }
0xcc: {  	v4 =	vld @!p1 [tilespmem:$0x140B0]  }
0xcd: {  	v5 =	vld @!p1 [tilespmem:$0x14090]  }
.Ltmp0:
0xce: {  	v2 =	vld @!p1 [tilespmem:$0x140C0];
	(pc) =	sbr.rel @p0 .LBB2_2-.Ltmp0, $4  }
0xcf: {  	v1 =	vld @!p1 [tilespmem:$0x140A0]  }
0xd0: {  	v3 =	vadd.s32 @!p1 v0, v3  }
0xd1: {  	[tilespmem:$0x14080] =	vst @!p1 v3;
	v4 =	vadd.s32 @!p1 v0, v4  }
0xd2: {  	v3 =	vadd.s32 @!p1 v0, v5;
	[tilespmem:$0x140B0] =	vst @!p1 v4  }
0xd3: {  	[tilespmem:$0x14090] =	vst @!p1 v3;
	v2 =	vadd.s32 @!p1 v0, v2  }
0xd4: {  	v1 =	vadd.s32 @!p1 v0, v1;
	[tilespmem:$0x140C0] =	vst @!p1 v2  }
0xd5: {  	s8 =	simm.s32 @!p1 $0x50;
	s12 =	simm.s32 @!p1 $0x14180;
	[tilespmem:$0x140A0] =	vst @!p1 v1  }
0xd6: {  	[tilespmem:s12], [sflag:$0x1] =	stream.indirect.gather @!p1 [hbm4b:s7+s8], $0x80, s13, s8, $0xb8;
	[tilespmem:$0x1BA80] =	vst v63  }
0xd7: {  	_ =	swait.ge [sflag:s10], $0x2800  }
0xd8: {  	[sflag:s10] =	ssyncset.done $0x0  }
0xd9: {  	[sflag:s10] =	ssyncadd.s32 $0xFFFFD800  }
0xda: {  	v1 =	vld [tilespmem:$0x16A00]  }
0xdb: {  	v2 =	vld [tilespmem:$0x16A10]  }
0xdc: {  	v3 =	vld [tilespmem:$0x16A20]  }
0xdd: {  	v4 =	vld [tilespmem:$0x16A30]  }
0xde: {  	v5 =	vld [tilespmem:$0x16A40]  }
0xdf: {  	vm0 =	vlt.s32 v1, $0x1400  }
0xe0: {  	vm8 =	vlt.s32 v2, $0x1400;
	v1 =	vnsel vm0, $0x1400, v1  }
0xe1: {  	vm9 =	vlt.s32 v3, $0x1400;
	[tilespmem:$0x16A00] =	vst v1;
	v1 =	vnsel vm8, $0x1400, v2  }
0xe2: {  	vm10 =	vlt.s32 v4, $0x1400;
	[tilespmem:$0x16A10] =	vst v1;
	v1 =	vnsel vm9, $0x1400, v3  }
0xe3: {  	vm11 =	vlt.s32 v5, $0x1400;
	[tilespmem:$0x16A20] =	vst v1;
	v1 =	vnsel vm10, $0x1400, v4  }
0xe4: {  	[tilespmem:$0x16A30] =	vst v1;
	v1 =	vnsel vm11, $0x1400, v5  }
0xe5: {  	[tilespmem:$0x16A40] =	vst v1  }
0xe6: {  	[spmem:s3] =	stream.indirect.scatter.add.f32 [tilespmem:s6], [sflag:$0x3], $0x80, s0, s29, $0xb8;
	[tilespmem:$0x1BA80] =	vst v63  }
0xe7: {  	_ =	swait.ge [sflag:s25], $0x2800  }
0xe8: {  	[sflag:s25] =	ssyncset.done $0x0  }
0xe9: {  	[sflag:s25] =	ssyncadd.s32 $0xFFFFD800  }
0xea: {  	[spmem:s4] =	stream.indirect.scatter.add.f32 [tilespmem:s24], [sflag:$0x3], $0x80, s0, s29, $0xb8;
	[tilespmem:$0x1BA80] =	vst v63  }
0xeb: {  	_ =	swait.ge [sflag:s25], $0x2800  }
0xec: {  	[sflag:s25] =	ssyncset.done $0x0  }
0xed: {  	[sflag:s25] =	ssyncadd.s32 $0xFFFFD800  }
0xee: {  	[bflag:$0x0] =	sbarrier.arrive $0xFFFF  }
0xef: {  	s19 =	rddreg [dreg:$0xc]  }
0xf0: {  	s22 =	rddreg [dreg:$0x13]  }
0xf1: {  	[hbm:s19], [sflag:s15] =	dma.local [spmem:s22], $0x1400  }
0xf2: {  	_ =	swait.ge [sflag:s25], $0x1400  }
0xf3: {  	[sflag:s25] =	ssyncset.done $0x0  }
0xf4: {  	s26 =	rddreg [dreg:$0xd];
	[sflag:s25] =	ssyncadd.s32 $0xFFFFEC00  }
0xf5: {  	[hbm:s26], [sflag:s15] =	dma.local [spmem:s17], $0x1400  }
0xf6: {  	_ =	swait.ge [sflag:s25], $0x1400  }
0xf7: {  	[sflag:s25] =	ssyncset.done $0x0  }
0xf8: {  	s23 =	rddreg [dreg:$0x6];
	[sflag:s25] =	ssyncadd.s32 $0xFFFFEC00  }
0xf9: {  	[spmem:s22], [sflag:s15] =	dma.local [hbm:s23], $0x1400  }
0xfa: {  	_ =	swait.ge [sflag:s25], $0x1400  }
0xfb: {  	[sflag:s25] =	ssyncset.done $0x0  }
0xfc: {  	[sflag:s25] =	ssyncadd.s32 $0xFFFFEC00  }
0xfd: {  	[spmem:s17], [sflag:s15] =	dma.local [hbm:s23], $0x1400  }
0xfe: {  	_ =	swait.ge [sflag:s25], $0x1400  }
0xff: {  	[sflag:s25] =	ssyncset.done $0x0  }
0x100: {  	[sflag:s25] =	ssyncadd.s32 $0xFFFFEC00  }
0x101: {  	[bflag:$0x0] =	sbarrier.arrive $0xFFFF  }
0x102: {  	s18 =	simm.s32 $0x14080;
	s13 =	simm.s32 $0x0;
	s16 =	rddreg [dreg:$0xa]  }
0x103: {  	[tilespmem:s18], [sflag:$0x3] =	stream.linear.gather [hbm4b:s16+s13], $0x50, $0x38;
	[tilespmem:$0x1BA80] =	vst v63  }
0x104: {  	_ =	swait.ge [sflag:s25], $0x50  }
0x105: {  	[sflag:s25] =	ssyncset.done $0x0  }
0x106: {  	s19 =	rddreg [dreg:$0xb];
	[sflag:s25] =	ssyncadd.s32 $0xFFFFFFB0  }
0x107: {  	[tilespmem:s28], [sflag:$0x3] =	stream.linear.gather [hbm4b:s19+s13], $0x50, $0x38;
	[tilespmem:$0x1BA80] =	vst v63  }
0x108: {  	_ =	swait.ge [sflag:s25], $0x50  }
0x109: {  	[sflag:s25] =	ssyncset.done $0x0  }
0x10a: {  	[sflag:s25] =	ssyncadd.s32 $0xFFFFFFB0  }
0x10b: {  	v1 =	vld [tilespmem:$0x14080]  }
0x10c: {  	v2 =	vld [tilespmem:$0x14090]  }
0x10d: {  	v3 =	vld [tilespmem:$0x140A0]  }
0x10e: {  	v58 =	vld [tilespmem:$0x140B0]  }
0x10f: {  	v59 =	vld [tilespmem:$0x140C0]  }
0x110: {  	v1 =	vadd.s32 v0, v1  }
0x111: {  	[tilespmem:$0x14080] =	vst v1;
	v1 =	vadd.s32 v0, v2  }
0x112: {  	[tilespmem:$0x14090] =	vst v1;
	v1 =	vadd.s32 v0, v3  }
0x113: {  	[tilespmem:$0x140A0] =	vst v1;
	v1 =	vadd.s32 v0, v58  }
0x114: {  	[tilespmem:$0x140B0] =	vst v1;
	v1 =	vadd.s32 v0, v59  }
0x115: {  	[tilespmem:$0x140C0] =	vst v1  }
0x116: {  	[tilespmem:s30], [sflag:$0x1] =	stream.indirect.gather [hbm4b:s7+s29], $0x80, s18, s29, $0xb8;
	[tilespmem:$0x1BA80] =	vst v63  }
0x117: {  	s22 =	sadd.s32 $0x0, s21  }
0x118: {  	[tilespmem:s31], [sflag:$0x3] =	stream.linear.gather [hbm4b:s22+s5], $0x50, $0x38;
	[tilespmem:$0x1BA80] =	vst v63  }
0x119: {  	_ =	swait.ge [sflag:s25], $0x50  }
0x11a: {  	[sflag:s25] =	ssyncset.done $0x0  }
0x11b: {  	s26 =	sadd.s32 $0x0, s20;
	[sflag:s25] =	ssyncadd.s32 $0xFFFFFFB0  }
0x11c: {  	[tilespmem:s0], [sflag:$0x3] =	stream.linear.gather [hbm4b:s26+s5], $0x50, $0x38;
	[tilespmem:$0x1BA80] =	vst v63  }
0x11d: {  	_ =	swait.ge [sflag:s25], $0x50  }
0x11e: {  	[sflag:s25] =	ssyncset.done $0x0  }
0x11f: {  	[sflag:s25] =	ssyncadd.s32 $0xFFFFFFB0  }
0x120: {  	v1 =	vld [tilespmem:$0x16980]  }
0x121: {  	v2 =	vld [tilespmem:$0x169B0]  }
0x122: {  	v3 =	vld [tilespmem:$0x169A0]  }
0x123: {  	v60 =	vld [tilespmem:$0x169C0]  }
0x124: {  	v61 =	vld [tilespmem:$0x16990]  }
0x125: {  	v1 =	vadd.s32 v0, v1  }
0x126: {  	[tilespmem:$0x16980] =	vst v1;
	v1 =	vadd.s32 v0, v2  }
0x127: {  	v2 =	vadd.s32 v0, v3;
	[tilespmem:$0x169B0] =	vst v1  }
0x128: {  	[tilespmem:$0x169A0] =	vst v2;
	v1 =	vadd.s32 v0, v60  }
0x129: {  	v2 =	vadd.s32 v0, v61;
	[tilespmem:$0x169C0] =	vst v1  }
0x12a: {  	[tilespmem:$0x16990] =	vst v2  }
0x12b: {  	[tilespmem:s6], [sflag:$0x2] =	stream.indirect.gather [hbm4b:s7+s29], $0x80, s31, s29, $0xb8;
	[tilespmem:$0x1BA80] =	vst v63  }
0x12c: {  	_ =	swait.ge [sflag:s9], $0x2800  }
0x12d: {  	[sflag:s9] =	ssyncset.done $0x0  }
0x12e: {  	[sflag:s9] =	ssyncadd.s32 $0xFFFFD800  }
0x12f: {  	v1 =	vld [tilespmem:$0x14140]  }
0x130: {  	v2 =	vld [tilespmem:$0x14130]  }
0x131: {  	v3 =	vld [tilespmem:$0x14120]  }
0x132: {  	v62 =	vld [tilespmem:$0x14110]  }
0x133: {  	v63 =	vld [tilespmem:$0x14100]  }
0x134: {  	v1 =	vadd.s32 $0xFFFFEC00, v1  }
0x135: {  	v2 =	vadd.s32 $0xFFFFEC00, v2;
	vm12 =	vgt.s32 v1, $0xFFFFFFFF  }
0x136: {  	v3 =	vadd.s32 $0xFFFFEC00, v3;
	vm1 =	vgt.s32 v2, $0xFFFFFFFF;
	v1 =	vnsel vm12, $0x1400, v1  }
0x137: {  	v4 =	vadd.s32 $0xFFFFEC00, v62;
	vm13 =	vgt.s32 v3, $0xFFFFFFFF;
	v2 =	vnsel vm1, $0x1400, v2;
	[tilespmem:$0x14140] =	vst v1  }
0x138: {  	vm14 =	vgt.s32 v4, $0xFFFFFFFF;
	v3 =	vnsel vm13, $0x1400, v3;
	v1 =	vadd.s32 $0xFFFFEC00, v63;
	[tilespmem:$0x14130] =	vst v2  }
0x139: {  	v2 =	vnsel vm14, $0x1400, v4;
	[tilespmem:$0x14120] =	vst v3;
	vm15 =	vgt.s32 v1, $0xFFFFFFFF  }
0x13a: {  	[tilespmem:$0x14110] =	vst v2;
	v1 =	vnsel vm15, $0x1400, v1  }
0x13b: {  	[tilespmem:$0x14100] =	vst v1  }
0x13c: {  	[spmem:s3] =	stream.indirect.scatter.add.f32 [tilespmem:s30], [sflag:$0x3], $0x80, s28, s29, $0xb8;
	[tilespmem:$0x1BA80] =	vst v63  }
0x13d: {  	_ =	swait.ge [sflag:s25], $0x2800  }
0x13e: {  	[sflag:s25] =	ssyncset.done $0x0;
	s19 =	rddreg [dreg:$0x12]  }
0x13f: {  	s22 =	rddreg [dreg:$0x11];
	p1 =	sge.u32 s19, s14;
	[sflag:s25] =	ssyncadd.s32 $0xFFFFD800  }
0x140: {  	[spmem:s4] =	stream.indirect.scatter.add.f32 [tilespmem:s24], [sflag:$0x3], $0x80, s28, s29, $0xb8;
	[tilespmem:$0x1BA80] =	vst v63  }
0x141: {  	s12 =	sshrl.u32 @!p1 s22, $0x3;
	_ =	swait.ge [sflag:s25], $0x2800  }
0x142: {  	s8 =	simm.s32 @!p1 $0x3;
	s16 =	simm.s32 @!p1 $0x0;
	[sflag:s25] =	ssyncset.done $0x0  }
0x143: {  	s26 =	simm.s32 @!p1 $0x14080;
	s13 =	sadd.s32 @!p1 s1, s12;
	[sflag:s25] =	ssyncadd.s32 $0xFFFFD800  }
0x144: {  	[tilespmem:s26], [sflag:$0x3] =	stream.linear.gather @!p1 [hbm4b:s13+s16], $0x50, $0x38;
	[tilespmem:$0x1BA80] =	vst v63  }
0x145: {  	_ =	swait.ge @!p1 [sflag:s8], $0x50  }
0x146: {  	[sflag:s8] =	ssyncset.done @!p1 $0x0  }
0x147: {  	s12 =	sadd.s32 @!p1 s2, s12;
	s13 =	simm.s32 @!p1 $0x14100;
	[sflag:s8] =	ssyncadd.s32 @!p1 $0xFFFFFFB0  }
0x148: {  	[tilespmem:s13], [sflag:$0x3] =	stream.linear.gather @!p1 [hbm4b:s12+s16], $0x50, $0x38;
	[tilespmem:$0x1BA80] =	vst v63  }
0x149: {  	s18 =	simm.s32 $0x14;
	s19 =	sadd.s32 $0x2, s19;
	_ =	swait.ge @!p1 [sflag:s8], $0x50  }
.LBB2_4:
0x14a: {  	[sflag:s8] =	ssyncset.done @!p1 $0x0  }
0x14b: {  	s22 =	sadd.s32 $0xA0, s22;
	s13 =	smov.u32 s18;
	s18 =	sadd.s32 $0x14, s18  }
0x14c: {  	p0 =	sne.s32 s18, $0x9C4;
	[sflag:s8] =	ssyncadd.s32 @!p1 $0xFFFFFFB0  }
0x14d: {  	v1 =	vld @!p1 [tilespmem:$0x140A0]  }
0x14e: {  	v2 =	vld @!p1 [tilespmem:$0x140C0]  }
0x14f: {  	v3 =	vld @!p1 [tilespmem:$0x14080]  }
0x150: {  	v4 =	vld @!p1 [tilespmem:$0x140B0]  }
0x151: {  	v5 =	vld @!p1 [tilespmem:$0x14090]  }
0x152: {  	v1 =	vadd.s32 @!p1 v0, v1  }
0x153: {  	[tilespmem:$0x140A0] =	vst @!p1 v1;
	v1 =	vadd.s32 @!p1 v0, v2  }
0x154: {  	v2 =	vadd.s32 @!p1 v0, v3;
	[tilespmem:$0x140C0] =	vst @!p1 v1  }
0x155: {  	[tilespmem:$0x14080] =	vst @!p1 v2;
	v1 =	vadd.s32 @!p1 v0, v4  }
0x156: {  	v2 =	vadd.s32 @!p1 v0, v5;
	[tilespmem:$0x140B0] =	vst @!p1 v1  }
0x157: {  	s12 =	simm.s32 @!p1 $0x14180;
	s8 =	simm.s32 @!p1 $0x50;
	[tilespmem:$0x14090] =	vst @!p1 v2  }
0x158: {  	[tilespmem:s12], [sflag:$0x1] =	stream.indirect.gather @!p1 [hbm4b:s7+s8], $0x80, s26, s8, $0xb8;
	[tilespmem:$0x1BA80] =	vst v63  }
0x159: {  	_ =	swait.ge [sflag:s10], $0x2800  }
0x15a: {  	[sflag:s10] =	ssyncset.done $0x0  }
0x15b: {  	[sflag:s10] =	ssyncadd.s32 $0xFFFFD800  }
0x15c: {  	v1 =	vld [tilespmem:$0x16A00]  }
0x15d: {  	v2 =	vld [tilespmem:$0x16A10]  }
0x15e: {  	v3 =	vld [tilespmem:$0x16A20]  }
0x15f: {  	v4 =	vld [tilespmem:$0x16A40];
	_ =	sdelay $0x1  }
0x160: {  	v1 =	vadd.s32 $0xFFFFEC00, v1;
	v5 =	vld [tilespmem:$0x16A30]  }
0x161: {  	vm0 =	vgt.s32 v1, $0xFFFFFFFF;
	v2 =	vadd.s32 $0xFFFFEC00, v2  }
0x162: {  	v1 =	vnsel vm0, $0x1400, v1;
	vm0 =	vgt.s32 v2, $0xFFFFFFFF;
	v3 =	vadd.s32 $0xFFFFEC00, v3  }
0x163: {  	[tilespmem:$0x16A00] =	vst v1;
	v1 =	vnsel vm0, $0x1400, v2;
	vm0 =	vgt.s32 v3, $0xFFFFFFFF;
	v2 =	vadd.s32 $0xFFFFEC00, v4  }
0x164: {  	[tilespmem:$0x16A10] =	vst v1;
	v1 =	vnsel vm0, $0x1400, v3;
	vm0 =	vgt.s32 v2, $0xFFFFFFFF  }
0x165: {  	[tilespmem:$0x16A20] =	vst v1;
	v1 =	vadd.s32 $0xFFFFEC00, v5;
	v2 =	vnsel vm0, $0x1400, v2  }
0x166: {  	vm0 =	vgt.s32 v1, $0xFFFFFFFF;
	[tilespmem:$0x16A40] =	vst v2  }
0x167: {  	v1 =	vnsel vm0, $0x1400, v1  }
0x168: {  	[tilespmem:$0x16A30] =	vst v1  }
0x169: {  	[spmem:s3] =	stream.indirect.scatter.add.f32 [tilespmem:s6], [sflag:$0x3], $0x80, s0, s29, $0xb8;
	[tilespmem:$0x1BA80] =	vst v63  }
0x16a: {  	_ =	swait.ge [sflag:s25], $0x2800  }
0x16b: {  	[sflag:s25] =	ssyncset.done $0x0  }
0x16c: {  	[sflag:s25] =	ssyncadd.s32 $0xFFFFD800  }
0x16d: {  	[spmem:s4] =	stream.indirect.scatter.add.f32 [tilespmem:s24], [sflag:$0x3], $0x80, s0, s29, $0xb8;
	[tilespmem:$0x1BA80] =	vst v63  }
0x16e: {  	_ =	swait.ge [sflag:s25], $0x2800  }
0x16f: {  	[sflag:s25] =	ssyncset.done $0x0  }
0x170: {  	s8 =	sadd.s32 s13, s21;
	[sflag:s25] =	ssyncadd.s32 $0xFFFFD800  }
0x171: {  	[tilespmem:s31], [sflag:$0x3] =	stream.linear.gather [hbm4b:s8+s5], $0x50, $0x38;
	[tilespmem:$0x1BA80] =	vst v63  }
0x172: {  	_ =	swait.ge [sflag:s25], $0x50  }
0x173: {  	[sflag:s25] =	ssyncset.done $0x0  }
0x174: {  	s8 =	sadd.s32 s13, s20;
	[sflag:s25] =	ssyncadd.s32 $0xFFFFFFB0  }
0x175: {  	[tilespmem:s0], [sflag:$0x3] =	stream.linear.gather [hbm4b:s8+s5], $0x50, $0x38;
	[tilespmem:$0x1BA80] =	vst v63  }
0x176: {  	_ =	swait.ge [sflag:s25], $0x50  }
0x177: {  	[sflag:s25] =	ssyncset.done $0x0  }
0x178: {  	[sflag:s25] =	ssyncadd.s32 $0xFFFFFFB0  }
0x179: {  	v1 =	vld [tilespmem:$0x16990]  }
0x17a: {  	v2 =	vld [tilespmem:$0x16980]  }
0x17b: {  	v3 =	vld [tilespmem:$0x169B0]  }
0x17c: {  	v4 =	vld [tilespmem:$0x169A0]  }
0x17d: {  	v5 =	vld [tilespmem:$0x169C0];
	_ =	sdelay $0x1  }
0x17e: {  	v1 =	vadd.s32 v0, v1;
	v2 =	vadd.s32 v0, v2  }
0x17f: {  	[tilespmem:$0x16980] =	vst v2;
	v2 =	vadd.s32 v0, v3  }
0x180: {  	v3 =	vadd.s32 v0, v4;
	[tilespmem:$0x169B0] =	vst v2  }
0x181: {  	[tilespmem:$0x169A0] =	vst v3;
	v2 =	vadd.s32 v0, v5  }
0x182: {  	[tilespmem:$0x169C0] =	vst v2  }
0x183: {  	[tilespmem:$0x16990] =	vst v1  }
0x184: {  	[tilespmem:s6], [sflag:$0x2] =	stream.indirect.gather [hbm4b:s7+s29], $0x80, s31, s29, $0xb8;
	[tilespmem:$0x1BA80] =	vst v63  }
0x185: {  	_ =	swait.ge [sflag:s9], $0x2800  }
0x186: {  	[sflag:s9] =	ssyncset.done $0x0  }
0x187: {  	p1 =	sge.u32 s19, s14;
	[sflag:s9] =	ssyncadd.s32 $0xFFFFD800  }
0x188: {  	v1 =	vld [tilespmem:$0x14140]  }
0x189: {  	s8 =	sshrl.u32 @!p1 s22, $0x3;
	v2 =	vld [tilespmem:$0x14130]  }
0x18a: {  	s13 =	sadd.s32 @!p1 s2, s8;
	v3 =	vld [tilespmem:$0x14120]  }
0x18b: {  	v4 =	vld [tilespmem:$0x14110]  }
0x18c: {  	v5 =	vld [tilespmem:$0x14100]  }
0x18d: {  	s12 =	sadd.s32 @!p1 s1, s8;
	v1 =	vadd.s32 $0xFFFFEC00, v1  }
0x18e: {  	v2 =	vadd.s32 $0xFFFFEC00, v2;
	vm0 =	vgt.s32 v1, $0xFFFFFFFF  }
0x18f: {  	v3 =	vadd.s32 $0xFFFFEC00, v3;
	vm1 =	vgt.s32 v2, $0xFFFFFFFF;
	v1 =	vnsel vm0, $0x1400, v1  }
0x190: {  	v4 =	vadd.s32 $0xFFFFEC00, v4;
	vm0 =	vgt.s32 v3, $0xFFFFFFFF;
	v2 =	vnsel vm1, $0x1400, v2;
	[tilespmem:$0x14140] =	vst v1  }
0x191: {  	v1 =	vadd.s32 $0xFFFFEC00, v5;
	vm1 =	vgt.s32 v4, $0xFFFFFFFF;
	v3 =	vnsel vm0, $0x1400, v3;
	[tilespmem:$0x14130] =	vst v2  }
0x192: {  	vm0 =	vgt.s32 v1, $0xFFFFFFFF;
	v2 =	vnsel vm1, $0x1400, v4;
	[tilespmem:$0x14120] =	vst v3  }
0x193: {  	v1 =	vnsel vm0, $0x1400, v1;
	[tilespmem:$0x14110] =	vst v2  }
0x194: {  	[tilespmem:$0x14100] =	vst v1  }
0x195: {  	[spmem:s3] =	stream.indirect.scatter.add.f32 [tilespmem:s30], [sflag:$0x3], $0x80, s28, s29, $0xb8;
	[tilespmem:$0x1BA80] =	vst v63  }
0x196: {  	_ =	swait.ge [sflag:s25], $0x2800  }
0x197: {  	[sflag:s25] =	ssyncset.done $0x0  }
0x198: {  	[sflag:s25] =	ssyncadd.s32 $0xFFFFD800  }
0x199: {  	[spmem:s4] =	stream.indirect.scatter.add.f32 [tilespmem:s24], [sflag:$0x3], $0x80, s28, s29, $0xb8;
	[tilespmem:$0x1BA80] =	vst v63  }
0x19a: {  	_ =	swait.ge [sflag:s25], $0x2800  }
0x19b: {  	s8 =	simm.s32 @!p1 $0x3;
	[sflag:s25] =	ssyncset.done $0x0  }
0x19c: {  	s16 =	simm.s32 @!p1 $0x0;
	s26 =	simm.s32 @!p1 $0x14080;
	[sflag:s25] =	ssyncadd.s32 $0xFFFFD800  }
0x19d: {  	[tilespmem:s26], [sflag:$0x3] =	stream.linear.gather @!p1 [hbm4b:s12+s16], $0x50, $0x38;
	[tilespmem:$0x1BA80] =	vst v63  }
.Ltmp1:
0x19e: {  	_ =	swait.ge @!p1 [sflag:s8], $0x50;
	(pc) =	sbr.rel @p0 .LBB2_4-.Ltmp1, $4  }
0x19f: {  	[sflag:s8] =	ssyncset.done @!p1 $0x0  }
0x1a0: {  	s12 =	simm.s32 @!p1 $0x14100;
	[sflag:s8] =	ssyncadd.s32 @!p1 $0xFFFFFFB0  }
0x1a1: {  	[tilespmem:s12], [sflag:$0x3] =	stream.linear.gather @!p1 [hbm4b:s13+s16], $0x50, $0x38;
	[tilespmem:$0x1BA80] =	vst v63  }
0x1a2: {  	s19 =	sadd.s32 $0x2, s19;
	_ =	swait.ge @!p1 [sflag:s8], $0x50  }
0x1a3: {  	[sflag:s8] =	ssyncset.done @!p1 $0x0  }
0x1a4: {  	[sflag:s8] =	ssyncadd.s32 @!p1 $0xFFFFFFB0  }
0x1a5: {  	v1 =	vld @!p1 [tilespmem:$0x140A0]  }
0x1a6: {  	v2 =	vld @!p1 [tilespmem:$0x140C0]  }
0x1a7: {  	v3 =	vld @!p1 [tilespmem:$0x14080]  }
0x1a8: {  	v4 =	vld @!p1 [tilespmem:$0x140B0]  }
0x1a9: {  	v5 =	vld @!p1 [tilespmem:$0x14090]  }
0x1aa: {  	v1 =	vadd.s32 @!p1 v0, v1  }
0x1ab: {  	[tilespmem:$0x140A0] =	vst @!p1 v1;
	v1 =	vadd.s32 @!p1 v0, v2  }
0x1ac: {  	v2 =	vadd.s32 @!p1 v0, v3;
	[tilespmem:$0x140C0] =	vst @!p1 v1  }
0x1ad: {  	[tilespmem:$0x14080] =	vst @!p1 v2;
	v1 =	vadd.s32 @!p1 v0, v4  }
0x1ae: {  	v2 =	vadd.s32 @!p1 v0, v5;
	[tilespmem:$0x140B0] =	vst @!p1 v1  }
0x1af: {  	s12 =	simm.s32 @!p1 $0x14180;
	s8 =	simm.s32 @!p1 $0x50;
	[tilespmem:$0x14090] =	vst @!p1 v2  }
0x1b0: {  	[tilespmem:s12], [sflag:$0x1] =	stream.indirect.gather @!p1 [hbm4b:s7+s8], $0x80, s26, s8, $0xb8;
	[tilespmem:$0x1BA80] =	vst v63  }
0x1b1: {  	_ =	swait.ge [sflag:s10], $0x2800  }
0x1b2: {  	[sflag:s10] =	ssyncset.done $0x0  }
0x1b3: {  	[sflag:s10] =	ssyncadd.s32 $0xFFFFD800  }
0x1b4: {  	v1 =	vld [tilespmem:$0x16A00]  }
0x1b5: {  	v2 =	vld [tilespmem:$0x16A10]  }
0x1b6: {  	v3 =	vld [tilespmem:$0x16A20]  }
0x1b7: {  	v62 =	vld [tilespmem:$0x16A40]  }
0x1b8: {  	v63 =	vld [tilespmem:$0x16A30]  }
0x1b9: {  	v1 =	vadd.s32 $0xFFFFEC00, v1  }
0x1ba: {  	v2 =	vadd.s32 $0xFFFFEC00, v2;
	vm0 =	vgt.s32 v1, $0xFFFFFFFF  }
0x1bb: {  	v3 =	vadd.s32 $0xFFFFEC00, v3;
	vm12 =	vgt.s32 v2, $0xFFFFFFFF;
	v1 =	vnsel vm0, $0x1400, v1  }
0x1bc: {  	vm13 =	vgt.s32 v3, $0xFFFFFFFF;
	[tilespmem:$0x16A00] =	vst v1;
	v1 =	vnsel vm12, $0x1400, v2;
	v2 =	vadd.s32 $0xFFFFEC00, v62  }
0x1bd: {  	[tilespmem:$0x16A10] =	vst v1;
	v1 =	vnsel vm13, $0x1400, v3;
	vm14 =	vgt.s32 v2, $0xFFFFFFFF;
	v3 =	vadd.s32 $0xFFFFEC00, v63  }
0x1be: {  	[tilespmem:$0x16A20] =	vst v1;
	v1 =	vnsel vm14, $0x1400, v2;
	vm15 =	vgt.s32 v3, $0xFFFFFFFF  }
0x1bf: {  	[tilespmem:$0x16A40] =	vst v1;
	v1 =	vnsel vm15, $0x1400, v3  }
0x1c0: {  	[tilespmem:$0x16A30] =	vst v1  }
0x1c1: {  	[spmem:s3] =	stream.indirect.scatter.add.f32 [tilespmem:s6], [sflag:$0x3], $0x80, s0, s29, $0xb8;
	[tilespmem:$0x1BA80] =	vst v63  }
0x1c2: {  	_ =	swait.ge [sflag:s25], $0x2800  }
0x1c3: {  	[sflag:s25] =	ssyncset.done $0x0  }
0x1c4: {  	[sflag:s25] =	ssyncadd.s32 $0xFFFFD800  }
0x1c5: {  	[spmem:s4] =	stream.indirect.scatter.add.f32 [tilespmem:s24], [sflag:$0x3], $0x80, s0, s29, $0xb8;
	[tilespmem:$0x1BA80] =	vst v63  }
0x1c6: {  	_ =	swait.ge [sflag:s25], $0x2800  }
0x1c7: {  	[sflag:s25] =	ssyncset.done $0x0  }
0x1c8: {  	[sflag:s25] =	ssyncadd.s32 $0xFFFFD800  }
0x1c9: {  	[bflag:$0x0] =	sbarrier.arrive $0xFFFF  }
0x1ca: {  	s18 =	rddreg [dreg:$0xe]  }
0x1cb: {  	s19 =	rddreg [dreg:$0x13]  }
0x1cc: {  	[hbm:s18], [sflag:s15] =	dma.local [spmem:s19], $0x1400  }
0x1cd: {  	_ =	swait.ge [sflag:s25], $0x1400  }
0x1ce: {  	[sflag:s25] =	ssyncset.done $0x0  }
0x1cf: {  	s22 =	rddreg [dreg:$0xf];
	[sflag:s25] =	ssyncadd.s32 $0xFFFFEC00  }
0x1d0: {  	[hbm:s22], [sflag:s15] =	dma.local [spmem:s17], $0x1400  }
0x1d1: {  	_ =	swait.ge [sflag:s25], $0x1400  }
0x1d2: {  	s11 =	sadd.s32 $0x1, s11;
	s26 =	rddreg [dreg:$0x10]  }
0x1d3: {  	p0 =	sne.s32 s11, s26  }
.Ltmp2:
0x1d4: {  	_ = 	snop;
	(pc) =	sbr.rel @p0 .LBB2_1-.Ltmp2, $3  }
0x1d5: {  	_ =	sdelay $0x1  }
0x1d6: {  	[sflag:s25] =	ssyncset.done $0x0  }
0x1d7: {  	[sflag:s25] =	ssyncadd.s32 $0xFFFFEC00  }
0x1d8: {  	_ =	sfence.sel $0x180000  }
0x1d9: {  	[bflag:$0x0] =	sbarrier.arrive $0xFFFF  }
0x1da: {  	_ =	strace $0x90000047  }
0x1db: {  	s0 =	stileid.u32;
	[bflag:$0x2] =	sbarrier.arrive $0xFFFF  }
0x1dc: {  	p0 =	sne.s32 s0, $0x0;
	s0 =	rddreg [dreg:$0x5]  }
0x1dd: {  	s0 =	sadd.s32 @!p0 $0x100000, s0  }
0x1de: {  	[sflag:s0] =	ssyncadd.tile.s32 @!p0 $0x1;
	_ =	shalt  }
.Lfunc_end2:
_tile_overlayer_lowered:
.L_overlay_start_2:
0x1df: {  	(tag) =	ssettag $0x2  }
0x1e0: {  	s0 =	rddreg [dreg:$0x0];
	s2 =	stileid.u32  }
0x1e1: {  	s1 =	rddreg [dreg:$0x1];
	p0 =	sne.s32 s2, $0x0  }
0x1e2: {  	s3 =	rddreg [dreg:$0x2];
	[bflag:$0x3] =	sbarrier.arrive $0xFFFF;
	s2 =	simm.s32 @!p0 $0x1C03  }
0x1e3: {  	[timem:s3], [sflag:s2] =	dma.local @!p0 [hbm:s0], s1  }
0x1e4: {  	s0 =	simm.s32 @!p0 $0x3  }
0x1e5: {  	_ =	swait.ge @!p0 [sflag:s0], s1  }
0x1e6: {  	s1 =	ssub.s32 @!p0 $0x0, s1;
	[sflag:s0] =	ssyncset.done @!p0 $0x0  }
0x1e7: {  	[sflag:s0] =	ssyncadd.s32 @!p0 s1  }
0x1e8: {  	[bflag:$0x3] =	sbarrier.arrive $0xFFFF  }
0x1e9: {  	_ =	shalt  }

</sc_bundles>
